<compile_context>
chip_gen: v7x
topology: tpu7x:2x2x1
jax: 0.10.2.dev20260603
libtpu: 0.0.44.dev20260713+nightly
codegen_flags: <defaults>
</compile_context>

<pallas_src>
import functools

import jax
import jax.numpy as jnp
from jax import lax
from jax.experimental import pallas as pl
from jax.experimental.pallas import tpu as pltpu
from jax.experimental.pallas import tpu_sc as plsc

_NL = 4
_D = 256
_DC = 64
_K = 1024


def _vq_idx(video_ref, enc_w_ref, proj_in_ref, cb_ref, c2_ref):
    @pl.when(pl.program_id(0) == 0)
    def _():
        cb0 = cb_ref[...]
        c2_ref[...] = jnp.sum(cb0 * cb0, axis=1)[None, :]

    h = video_ref[...]
    for i in range(_NL):
        h = h + jax.nn.gelu(jnp.dot(h, enc_w_ref[i]))
    z = jnp.dot(h, proj_in_ref[...])
    cb = cb_ref[...]
    zc = jax.lax.dot_general(z, cb, (((1,), (1,)), ((), ())))
    d2 = (jnp.sum(z * z, axis=1, keepdims=True) - 2.0 * zc
          + c2_ref[...])
    m = jnp.min(d2, axis=1, keepdims=True)
    iota = jax.lax.broadcasted_iota(jnp.int32, d2.shape, 1)
    idx = jnp.min(jnp.where(d2 <= m, iota, _K), axis=1)
    return idx, iota


def _dec_layers(h, dec_w_ref, head_ref):
    bf = jnp.bfloat16
    f32 = jnp.float32
    for i in range(_NL):
        y = jnp.dot(h, dec_w_ref[i], preferred_element_type=f32).astype(bf)
        h = h + jax.nn.gelu(y)
    return jnp.dot(h, head_ref[...], preferred_element_type=f32)


def _encode(video_ref, enc_w_ref, proj_in_ref, cb_ref, codes_ref, c2_ref):
    idx, _ = _vq_idx(video_ref, enc_w_ref, proj_in_ref, cb_ref, c2_ref)
    codes_ref[...] = idx.reshape(codes_ref.shape)


def _decode(q_ref, proj_out_ref, dec_w_ref, head_ref, recon_ref):
    bf = jnp.bfloat16
    f32 = jnp.float32
    h = jnp.dot(q_ref[:, :_DC].astype(bf), proj_out_ref[...],
                preferred_element_type=f32).astype(bf)
    recon_ref[...] = _dec_layers(h, dec_w_ref, head_ref)


def _fused(video_ref, enc_w_ref, proj_in_ref, cb_ref, proj_out_ref,
           dec_w_ref, head_ref, recon_ref, codes_ref, c2_ref, cbp_ref):
    bf = jnp.bfloat16
    f32 = jnp.float32

    @pl.when(pl.program_id(0) == 0)
    def _():
        cbp_ref[...] = jnp.dot(cb_ref[...].astype(bf), proj_out_ref[...],
                               preferred_element_type=f32).astype(bf)

    idx, iota = _vq_idx(video_ref, enc_w_ref, proj_in_ref, cb_ref, c2_ref)
    onehot = (iota == idx[:, None]).astype(bf)
    h = jnp.dot(onehot, cbp_ref[...], preferred_element_type=f32).astype(bf)
    recon_ref[...] = _dec_layers(h, dec_w_ref, head_ref)
    codes_ref[...] = idx.reshape(codes_ref.shape)


def _sc_gather(tokens):
    info = plsc.get_sparse_core_info()
    nw = info.num_cores * info.num_subcores
    b_per_w = tokens // nw
    nc = info.num_cores
    mesh = plsc.VectorSubcoreMesh(core_axis_name="c", subcore_axis_name="s")

    @functools.partial(
        pl.kernel, mesh=mesh,
        out_type=jax.ShapeDtypeStruct((tokens, 2 * _DC), jnp.float32),
        scratch_types=[
            pltpu.VMEM((b_per_w,), jnp.int32),
            pltpu.VMEM((b_per_w, 2 * _DC), jnp.float32),
            pltpu.SemaphoreType.DMA,
        ],
    )
    def gather(table_hbm, idx_hbm, out_hbm, idx_v, rows_v, sem):
        wid = lax.axis_index("s") * nc + lax.axis_index("c")
        base = wid * b_per_w
        pltpu.sync_copy(idx_hbm.at[pl.ds(base, b_per_w)], idx_v)
        pltpu.async_copy(table_hbm.at[idx_v], rows_v, sem).wait()
        pltpu.sync_copy(rows_v, out_hbm.at[pl.ds(base, b_per_w)])

    return gather


def _full(shape):
    return pl.BlockSpec(shape, lambda i: (0,) * len(shape))


def kernel(video, enc_w, enc_b, proj_in, codebook, proj_out, dec_w, dec_b,
           head):
    del enc_b, dec_b
    B, T, N, D = video.shape
    tokens = B * T * N
    flat = video.reshape(tokens, D)
    bf = jnp.bfloat16

    n1, r1 = 6144, 1536
    n2, r2 = 6400, 1280

    codes_a = pl.pallas_call(
        _encode,
        grid=(n1 // r1,),
        in_specs=[
            pl.BlockSpec((r1, _D), lambda i: (i, 0)),
            _full((_NL, _D, _D)),
            _full((_D, _DC)),
            _full((_K, _DC)),
        ],
        out_specs=pl.BlockSpec((1, r1 // 128, 128), lambda i: (i, 0, 0)),
        out_shape=jax.ShapeDtypeStruct((n1 // r1, r1 // 128, 128), jnp.int32),
        scratch_shapes=[pltpu.VMEM((1, _K), jnp.float32)],
    )(flat[:n1], enc_w, proj_in, codebook)

    cb_pad = jnp.pad(codebook, ((0, 0), (0, _DC)))
    q_a = _sc_gather(n1)(cb_pad, codes_a.reshape(n1))

    recon_b, codes_b = pl.pallas_call(
        _fused,
        grid=(n2 // r2,),
        in_specs=[
            pl.BlockSpec((r2, _D), lambda i: (i, 0)),
            _full((_NL, _D, _D)),
            _full((_D, _DC)),
            _full((_K, _DC)),
            _full((_DC, _D)),
            _full((_NL, _D, _D)),
            _full((_D, _D)),
        ],
        out_specs=[
            pl.BlockSpec((r2, _D), lambda i: (i, 0)),
            pl.BlockSpec((1, r2 // 128, 128), lambda i: (i, 0, 0)),
        ],
        out_shape=[
            jax.ShapeDtypeStruct((n2, _D), jnp.float32),
            jax.ShapeDtypeStruct((n2 // r2, r2 // 128, 128), jnp.int32),
        ],
        scratch_shapes=[pltpu.VMEM((1, _K), jnp.float32),
                        pltpu.VMEM((_K, _D), bf)],
    )(flat[n1:], enc_w, proj_in, codebook, proj_out.astype(bf),
      dec_w.astype(bf), head.astype(bf))

    recon_a = pl.pallas_call(
        _decode,
        grid=(n1 // r1,),
        in_specs=[
            pl.BlockSpec((r1, 2 * _DC), lambda i: (i, 0)),
            _full((_DC, _D)),
            _full((_NL, _D, _D)),
            _full((_D, _D)),
        ],
        out_specs=pl.BlockSpec((r1, _D), lambda i: (i, 0)),
        out_shape=jax.ShapeDtypeStruct((n1, _D), jnp.float32),
    )(q_a, proj_out.astype(bf), dec_w.astype(bf), head.astype(bf))

    recon = jnp.concatenate([recon_a, recon_b], axis=0).reshape(B, T, N, D)
    codes = jnp.concatenate(
        [codes_a.reshape(n1), codes_b.reshape(n2)]).reshape(B, T, N)
    return recon, codes

# --- scband reference (transcript-rebuilt; emitter-appended) ---
"""Pipeline reference for scband-latent-action-39032662786276 (READ-ONLY COPY).

The authoritative reference and input builder live on the scoring server;
editing this copy changes nothing except your own understanding.
"""

import jax, jax.numpy as jnp
import numpy as np

NUM_LAYERS = 4
D_MODEL = 256
D_CODE = 64
K = 1024

def setup_inputs(seed: int = 0):
    key = jax.random.key(seed)
    ks = jax.random.split(key, 10)
    video = jax.random.normal(ks[0], (4, 16, 196, D_MODEL), dtype=jnp.float32)
    enc_w = jax.random.normal(ks[1], (NUM_LAYERS, D_MODEL, D_MODEL), dtype=jnp.float32) * 0.05
    enc_b = jnp.zeros((NUM_LAYERS, D_MODEL), dtype=jnp.float32)
    proj_in = jax.random.normal(ks[2], (D_MODEL, D_CODE), dtype=jnp.float32) * 0.05
    codebook = jax.random.normal(ks[3], (K, D_CODE), dtype=jnp.float32)
    proj_out = jax.random.normal(ks[4], (D_CODE, D_MODEL), dtype=jnp.float32) * 0.05
    dec_w = jax.random.normal(ks[5], (NUM_LAYERS, D_MODEL, D_MODEL), dtype=jnp.float32) * 0.05
    dec_b = jnp.zeros((NUM_LAYERS, D_MODEL), dtype=jnp.float32)
    head = jax.random.normal(ks[6], (D_MODEL, D_MODEL), dtype=jnp.float32) * 0.05
    return {"video": video, "enc_w": enc_w, "enc_b": enc_b, "proj_in": proj_in, "codebook": codebook, "proj_out": proj_out, "dec_w": dec_w, "dec_b": dec_b, "head": head}

def reference(video, enc_w, enc_b, proj_in, codebook, proj_out, dec_w, dec_b, head):
    # Encoder: per-token residual MLP blocks (stand-in for ST-transformer blocks)
    h = video
    for i in range(NUM_LAYERS):
        h = h + jax.nn.gelu(h @ enc_w[i] + enc_b[i])
    z = h @ proj_in  # [B, T, N, D_CODE]
    # VQ: nearest codebook entry per latent token
    flat = z.reshape(-1, D_CODE)
    d2 = jnp.sum(flat * flat, axis=1, keepdims=True) - 2.0 * (flat @ codebook.T) + jnp.sum(codebook * codebook, axis=1)[None, :]
    idx = jnp.argmin(d2, axis=1)
    q = jnp.take(codebook, idx, axis=0).reshape(z.shape)
    # straight-through estimator
    zq = z + jax.lax.stop_gradient(q - z)
    # Decoder
    h = zq @ proj_out
    for i in range(NUM_LAYERS):
        h = h + jax.nn.gelu(h @ dec_w[i] + dec_b[i])
    recon = h @ head
    codes = idx.reshape(z.shape[:-1])
    return recon, codes

if __name__ == "__main__":
    import jax
    _d = setup_inputs()
    print(jax.jit(kernel)(*tuple(_d.values())))

</pallas_src>

<mosaic_0001>
#map = affine_map<(d0, d1) -> (0, 0)>
#map1 = affine_map<(d0, d1) -> (0)>
module attributes {stable_mosaic.version = 14 : i64} {
  func.func @gather(%arg0: i32, %arg1: i32, %arg2: memref<1024x128xf32, #tpu.memory_space<hbm>>, %arg3: memref<6144xi32, #tpu.memory_space<hbm>>, %arg4: memref<6144x128xf32, #tpu.memory_space<hbm>>, %arg5: memref<192xi32, #tpu.memory_space<vmem>>, %arg6: memref<192x128xf32, #tpu.memory_space<vmem>>, %arg7: memref<!tpu.dma_semaphore, #tpu.memory_space<semaphore_mem>>) attributes {dimension_semantics = [#tpu.dimension_semantics<core_parallel>, #tpu.dimension_semantics<subcore_parallel>], iteration_bounds = array<i64: 2, 16>, scalar_prefetch = 0 : i64, scratch_operands = 3 : i64, tpu.core_type = #tpu.core_type<sc_vector_subcore>, window_params = [{transform_indices = #map}, {transform_indices = #map1}, {transform_indices = #map}]} {
    %mul3A = arith.constant 2 : i32
    %mul3A_0 = arith.muli %arg1, %mul3A : i32
    %add3A = arith.addi %mul3A_0, %arg0 : i32
    %mul3A_1 = arith.constant 192 : i32
    %mul3A_2 = arith.muli %add3A, %mul3A_1 : i32
    "tpu.region"() ({
      %run_scoped3A = tpu.sem_alloc : memref<!tpu.dma_semaphore, #tpu.memory_space<semaphore_mem>>
      %dma_start3A_7 = tpu.memref_slice %arg3[%mul3A_2] : memref<6144xi32, #tpu.memory_space<hbm>> -> memref<192xi32, #tpu.memory_space<hbm>>
      %dma_start3A_8 = tpu.memref_slice %arg3[%mul3A_2] : memref<6144xi32, #tpu.memory_space<hbm>> -> memref<192xi32, #tpu.memory_space<hbm>>
      tpu.enqueue_dma source(%dma_start3A_8 : memref<192xi32, #tpu.memory_space<hbm>>) target(%arg5 : memref<192xi32, #tpu.memory_space<vmem>>) target_semaphore(%run_scoped3A : memref<!tpu.dma_semaphore, #tpu.memory_space<semaphore_mem>>)
      %dma_wait3A_9 = tpu.memref_slice %arg3[%mul3A_2] : memref<6144xi32, #tpu.memory_space<hbm>> -> memref<192xi32, #tpu.memory_space<hbm>>
      %dma_wait3A_10 = tpu.memref_slice %arg3[%mul3A_2] : memref<6144xi32, #tpu.memory_space<hbm>> -> memref<192xi32, #tpu.memory_space<hbm>>
      tpu.wait_dma2 semaphore(%run_scoped3A : memref<!tpu.dma_semaphore, #tpu.memory_space<semaphore_mem>>) src(%dma_wait3A_10 : memref<192xi32, #tpu.memory_space<hbm>>) dst(%arg5 : memref<192xi32, #tpu.memory_space<vmem>>)
      tpu.yield
    }) : () -> ()
    %dma_start3A = arith.constant 0 : i32
    %dma_start3A_3 = arith.constant 0 : i32
    %dma_start3A_4 = tpu.memref_slice %arg2[%dma_start3A, %dma_start3A_3] : memref<1024x128xf32, #tpu.memory_space<hbm>> -> memref<1024x128xf32, #tpu.memory_space<hbm>>
    tpu.enqueue_indirect_dma source(%dma_start3A_4 : memref<1024x128xf32, #tpu.memory_space<hbm>>) target(%arg6 : memref<192x128xf32, #tpu.memory_space<vmem>>) offsets(%arg5 : memref<192xi32, #tpu.memory_space<vmem>>) semaphore(%arg7 : memref<!tpu.dma_semaphore, #tpu.memory_space<semaphore_mem>>)
    %dma_wait3A = arith.constant 0 : i32
    %dma_wait3A_5 = arith.constant 0 : i32
    %dma_wait3A_6 = tpu.memref_slice %arg2[%dma_wait3A, %dma_wait3A_5] : memref<1024x128xf32, #tpu.memory_space<hbm>> -> memref<1024x128xf32, #tpu.memory_space<hbm>>
    tpu.wait_indirect_dma semaphore(%arg7 : memref<!tpu.dma_semaphore, #tpu.memory_space<semaphore_mem>>) src(%dma_wait3A_6 : memref<1024x128xf32, #tpu.memory_space<hbm>>) dst(%arg6 : memref<192x128xf32, #tpu.memory_space<vmem>>)
    "tpu.region"() ({
      %run_scoped3A = tpu.sem_alloc : memref<!tpu.dma_semaphore, #tpu.memory_space<semaphore_mem>>
      %dma_start3A_7 = arith.constant 0 : i32
      %dma_start3A_8 = tpu.memref_slice %arg4[%mul3A_2, %dma_start3A_7] : memref<6144x128xf32, #tpu.memory_space<hbm>> -> memref<192x128xf32, #tpu.memory_space<hbm>>
      %dma_start3A_9 = arith.constant 0 : i32
      %dma_start3A_10 = tpu.memref_slice %arg4[%mul3A_2, %dma_start3A_9] : memref<6144x128xf32, #tpu.memory_space<hbm>> -> memref<192x128xf32, #tpu.memory_space<hbm>>
      tpu.enqueue_dma source(%arg6 : memref<192x128xf32, #tpu.memory_space<vmem>>) target(%dma_start3A_10 : memref<192x128xf32, #tpu.memory_space<hbm>>) target_semaphore(%run_scoped3A : memref<!tpu.dma_semaphore, #tpu.memory_space<semaphore_mem>>)
      %dma_wait3A_11 = arith.constant 0 : i32
      %dma_wait3A_12 = tpu.memref_slice %arg4[%mul3A_2, %dma_wait3A_11] : memref<6144x128xf32, #tpu.memory_space<hbm>> -> memref<192x128xf32, #tpu.memory_space<hbm>>
      %dma_wait3A_13 = arith.constant 0 : i32
      %dma_wait3A_14 = tpu.memref_slice %arg4[%mul3A_2, %dma_wait3A_13] : memref<6144x128xf32, #tpu.memory_space<hbm>> -> memref<192x128xf32, #tpu.memory_space<hbm>>
      tpu.wait_dma2 semaphore(%run_scoped3A : memref<!tpu.dma_semaphore, #tpu.memory_space<semaphore_mem>>) src(%arg6 : memref<192x128xf32, #tpu.memory_space<vmem>>) dst(%dma_wait3A_14 : memref<192x128xf32, #tpu.memory_space<hbm>>)
      tpu.yield
    }) : () -> ()
    return
  }
}

module attributes {stable_mosaic.version = 14 : i64} {
  func.func @_encode(%arg0: i32, %arg1: memref<1536x256xf32, #tpu.memory_space<vmem>>, %arg2: memref<4x256x256xf32, #tpu.memory_space<vmem>>, %arg3: memref<256x64xf32, #tpu.memory_space<vmem>>, %arg4: memref<1024x64xf32, #tpu.memory_space<vmem>>, %arg5: memref<1x12x128xi32, #tpu.memory_space<vmem>>, %arg6: memref<1x1024xf32, #tpu.memory_space<vmem>>) attributes {dimension_semantics = [#tpu.dimension_semantics<arbitrary>], iteration_bounds = array<i64: 4>, scalar_prefetch = 0 : i64, scratch_operands = 1 : i64, tpu.core_type = #tpu.core_type<tc>, window_params = [{transform_indices = @transform_0, window_bounds = array<i64: 1536, 256>}, {pipeline_mode = #tpu.pipeline_mode<synchronous>, transform_indices = @transform_1, window_bounds = array<i64: 4, 256, 256>}, {pipeline_mode = #tpu.pipeline_mode<synchronous>, transform_indices = @transform_2, window_bounds = array<i64: 256, 64>}, {pipeline_mode = #tpu.pipeline_mode<synchronous>, transform_indices = @transform_3, window_bounds = array<i64: 1024, 64>}, {transform_indices = @transform_4, window_bounds = array<i64: 1, 12, 128>}]} {
    %eq3A = arith.constant 0 : i32
    %eq3A_0 = arith.cmpi eq, %arg0, %eq3A : i32
    %convert_element_type3A = arith.extui %eq3A_0 : i1 to i32
    %cond3A = arith.constant 0 : i32
    %cond3A_1 = arith.cmpi ne, %convert_element_type3A, %cond3A : i32
    scf.if %cond3A_1 {
      %get3A_129 = arith.constant 0 : index
      %get3A_130 = arith.constant 0 : index
      %get3A_131 = vector.load %arg4[%get3A_129, %get3A_130] : memref<1024x64xf32, #tpu.memory_space<vmem>>, vector<1024x64xf32>
      %mul3A_132 = arith.mulf %get3A_131, %get3A_131 : vector<1024x64xf32>
      %reduce_sum3A_133 = arith.constant dense<0.000000e+00> : vector<1024xf32>
      %reduce_sum3A_134 = vector.multi_reduction <add>, %mul3A_132, %reduce_sum3A_133 [1] : vector<1024x64xf32> to vector<1024xf32>
      %broadcast_in_dim3A_135 = vector.shape_cast %reduce_sum3A_134 : vector<1024xf32> to vector<1x1024xf32>
      %swap3A_136 = arith.constant 0 : index
      %swap3A_137 = arith.constant 0 : index
      %swap3A_138 = vector.load %arg6[%swap3A_136, %swap3A_137] : memref<1x1024xf32, #tpu.memory_space<vmem>>, vector<1x1024xf32>
      tpu.vector_store %arg6[%swap3A_136, %swap3A_137], %broadcast_in_dim3A_135 {strides = array<i32>} : memref<1x1024xf32, #tpu.memory_space<vmem>>, vector<1x1024xf32>,
    } else {
    }
    %get3A = arith.constant 0 : index
    %get3A_2 = arith.constant 0 : index
    %get3A_3 = vector.load %arg1[%get3A, %get3A_2] : memref<1536x256xf32, #tpu.memory_space<vmem>>, vector<1536x256xf32>
    %get3A_4 = arith.constant 0 : index
    %get3A_5 = arith.constant 0 : index
    %get3A_6 = arith.constant 0 : index
    %get3A_7 = vector.load %arg2[%get3A_4, %get3A_5, %get3A_6] : memref<4x256x256xf32, #tpu.memory_space<vmem>>, vector<1x256x256xf32>
    %get3A_8 = vector.shape_cast %get3A_7 : vector<1x256x256xf32> to vector<256x256xf32>
    %dot_general3A = arith.constant dense<0.000000e+00> : vector<1536x256xf32>
    %dot_general3A_9 = tpu.matmul %get3A_3, %get3A_8, %dot_general3A {dimension_numbers = #tpu.dot_dimension_numbers<[1], [0], [0], [1], [0, 0, 1, 1], [], []>, transpose_lhs_hint = false} : vector<1536x256xf32>, vector<256x256xf32>, vector<1536x256xf32> -> vector<1536x256xf32>
    %integer_pow3A = arith.mulf %dot_general3A_9, %dot_general3A_9 : vector<1536x256xf32>
    %integer_pow3A_10 = arith.mulf %dot_general3A_9, %integer_pow3A : vector<1536x256xf32>
    %mul3A = arith.constant 4.471500e-02 : f32
    %mul3A_11 = vector.broadcast %mul3A : f32 to vector<1536x256xf32>
    %mul3A_12 = arith.mulf %mul3A_11, %integer_pow3A_10 : vector<1536x256xf32>
    %add3A = arith.addf %dot_general3A_9, %mul3A_12 : vector<1536x256xf32>
    %mul3A_13 = arith.constant 0.797884583 : f32
    %mul3A_14 = vector.broadcast %mul3A_13 : f32 to vector<1536x256xf32>
    %mul3A_15 = arith.mulf %mul3A_14, %add3A : vector<1536x256xf32>
    %tanh3A = math.tanh %mul3A_15 : vector<1536x256xf32>
    %add3A_16 = arith.constant 1.000000e+00 : f32
    %add3A_17 = vector.broadcast %add3A_16 : f32 to vector<1536x256xf32>
    %add3A_18 = arith.addf %add3A_17, %tanh3A : vector<1536x256xf32>
    %mul3A_19 = arith.constant 5.000000e-01 : f32
    %mul3A_20 = vector.broadcast %mul3A_19 : f32 to vector<1536x256xf32>
    %mul3A_21 = arith.mulf %mul3A_20, %add3A_18 : vector<1536x256xf32>
    %mul3A_22 = arith.mulf %dot_general3A_9, %mul3A_21 : vector<1536x256xf32>
    %add3A_23 = arith.addf %get3A_3, %mul3A_22 : vector<1536x256xf32>
    %get3A_24 = arith.constant 1 : index
    %get3A_25 = arith.constant 0 : index
    %get3A_26 = arith.constant 0 : index
    %get3A_27 = vector.load %arg2[%get3A_24, %get3A_25, %get3A_26] : memref<4x256x256xf32, #tpu.memory_space<vmem>>, vector<1x256x256xf32>
    %get3A_28 = vector.shape_cast %get3A_27 : vector<1x256x256xf32> to vector<256x256xf32>
    %dot_general3A_29 = arith.constant dense<0.000000e+00> : vector<1536x256xf32>
    %dot_general3A_30 = tpu.matmul %add3A_23, %get3A_28, %dot_general3A_29 {dimension_numbers = #tpu.dot_dimension_numbers<[1], [0], [0], [1], [0, 0, 1, 1], [], []>, transpose_lhs_hint = false} : vector<1536x256xf32>, vector<256x256xf32>, vector<1536x256xf32> -> vector<1536x256xf32>
    %integer_pow3A_31 = arith.mulf %dot_general3A_30, %dot_general3A_30 : vector<1536x256xf32>
    %integer_pow3A_32 = arith.mulf %dot_general3A_30, %integer_pow3A_31 : vector<1536x256xf32>
    %mul3A_33 = arith.constant 4.471500e-02 : f32
    %mul3A_34 = vector.broadcast %mul3A_33 : f32 to vector<1536x256xf32>
    %mul3A_35 = arith.mulf %mul3A_34, %integer_pow3A_32 : vector<1536x256xf32>
    %add3A_36 = arith.addf %dot_general3A_30, %mul3A_35 : vector<1536x256xf32>
    %mul3A_37 = arith.constant 0.797884583 : f32
    %mul3A_38 = vector.broadcast %mul3A_37 : f32 to vector<1536x256xf32>
    %mul3A_39 = arith.mulf %mul3A_38, %add3A_36 : vector<1536x256xf32>
    %tanh3A_40 = math.tanh %mul3A_39 : vector<1536x256xf32>
    %add3A_41 = arith.constant 1.000000e+00 : f32
    %add3A_42 = vector.broadcast %add3A_41 : f32 to vector<1536x256xf32>
    %add3A_43 = arith.addf %add3A_42, %tanh3A_40 : vector<1536x256xf32>
    %mul3A_44 = arith.constant 5.000000e-01 : f32
    %mul3A_45 = vector.broadcast %mul3A_44 : f32 to vector<1536x256xf32>
    %mul3A_46 = arith.mulf %mul3A_45, %add3A_43 : vector<1536x256xf32>
    %mul3A_47 = arith.mulf %dot_general3A_30, %mul3A_46 : vector<1536x256xf32>
    %add3A_48 = arith.addf %add3A_23, %mul3A_47 : vector<1536x256xf32>
    %get3A_49 = arith.constant 2 : index
    %get3A_50 = arith.constant 0 : index
    %get3A_51 = arith.constant 0 : index
    %get3A_52 = vector.load %arg2[%get3A_49, %get3A_50, %get3A_51] : memref<4x256x256xf32, #tpu.memory_space<vmem>>, vector<1x256x256xf32>
    %get3A_53 = vector.shape_cast %get3A_52 : vector<1x256x256xf32> to vector<256x256xf32>
    %dot_general3A_54 = arith.constant dense<0.000000e+00> : vector<1536x256xf32>
    %dot_general3A_55 = tpu.matmul %add3A_48, %get3A_53, %dot_general3A_54 {dimension_numbers = #tpu.dot_dimension_numbers<[1], [0], [0], [1], [0, 0, 1, 1], [], []>, transpose_lhs_hint = false} : vector<1536x256xf32>, vector<256x256xf32>, vector<1536x256xf32> -> vector<1536x256xf32>
    %integer_pow3A_56 = arith.mulf %dot_general3A_55, %dot_general3A_55 : vector<1536x256xf32>
    %integer_pow3A_57 = arith.mulf %dot_general3A_55, %integer_pow3A_56 : vector<1536x256xf32>
    %mul3A_58 = arith.constant 4.471500e-02 : f32
    %mul3A_59 = vector.broadcast %mul3A_58 : f32 to vector<1536x256xf32>
    %mul3A_60 = arith.mulf %mul3A_59, %integer_pow3A_57 : vector<1536x256xf32>
    %add3A_61 = arith.addf %dot_general3A_55, %mul3A_60 : vector<1536x256xf32>
    %mul3A_62 = arith.constant 0.797884583 : f32
    %mul3A_63 = vector.broadcast %mul3A_62 : f32 to vector<1536x256xf32>
    %mul3A_64 = arith.mulf %mul3A_63, %add3A_61 : vector<1536x256xf32>
    %tanh3A_65 = math.tanh %mul3A_64 : vector<1536x256xf32>
    %add3A_66 = arith.constant 1.000000e+00 : f32
    %add3A_67 = vector.broadcast %add3A_66 : f32 to vector<1536x256xf32>
    %add3A_68 = arith.addf %add3A_67, %tanh3A_65 : vector<1536x256xf32>
    %mul3A_69 = arith.constant 5.000000e-01 : f32
    %mul3A_70 = vector.broadcast %mul3A_69 : f32 to vector<1536x256xf32>
    %mul3A_71 = arith.mulf %mul3A_70, %add3A_68 : vector<1536x256xf32>
    %mul3A_72 = arith.mulf %dot_general3A_55, %mul3A_71 : vector<1536x256xf32>
    %add3A_73 = arith.addf %add3A_48, %mul3A_72 : vector<1536x256xf32>
    %get3A_74 = arith.constant 3 : index
    %get3A_75 = arith.constant 0 : index
    %get3A_76 = arith.constant 0 : index
    %get3A_77 = vector.load %arg2[%get3A_74, %get3A_75, %get3A_76] : memref<4x256x256xf32, #tpu.memory_space<vmem>>, vector<1x256x256xf32>
    %get3A_78 = vector.shape_cast %get3A_77 : vector<1x256x256xf32> to vector<256x256xf32>
    %dot_general3A_79 = arith.constant dense<0.000000e+00> : vector<1536x256xf32>
    %dot_general3A_80 = tpu.matmul %add3A_73, %get3A_78, %dot_general3A_79 {dimension_numbers = #tpu.dot_dimension_numbers<[1], [0], [0], [1], [0, 0, 1, 1], [], []>, transpose_lhs_hint = false} : vector<1536x256xf32>, vector<256x256xf32>, vector<1536x256xf32> -> vector<1536x256xf32>
    %integer_pow3A_81 = arith.mulf %dot_general3A_80, %dot_general3A_80 : vector<1536x256xf32>
    %integer_pow3A_82 = arith.mulf %dot_general3A_80, %integer_pow3A_81 : vector<1536x256xf32>
    %mul3A_83 = arith.constant 4.471500e-02 : f32
    %mul3A_84 = vector.broadcast %mul3A_83 : f32 to vector<1536x256xf32>
    %mul3A_85 = arith.mulf %mul3A_84, %integer_pow3A_82 : vector<1536x256xf32>
    %add3A_86 = arith.addf %dot_general3A_80, %mul3A_85 : vector<1536x256xf32>
    %mul3A_87 = arith.constant 0.797884583 : f32
    %mul3A_88 = vector.broadcast %mul3A_87 : f32 to vector<1536x256xf32>
    %mul3A_89 = arith.mulf %mul3A_88, %add3A_86 : vector<1536x256xf32>
    %tanh3A_90 = math.tanh %mul3A_89 : vector<1536x256xf32>
    %add3A_91 = arith.constant 1.000000e+00 : f32
    %add3A_92 = vector.broadcast %add3A_91 : f32 to vector<1536x256xf32>
    %add3A_93 = arith.addf %add3A_92, %tanh3A_90 : vector<1536x256xf32>
    %mul3A_94 = arith.constant 5.000000e-01 : f32
    %mul3A_95 = vector.broadcast %mul3A_94 : f32 to vector<1536x256xf32>
    %mul3A_96 = arith.mulf %mul3A_95, %add3A_93 : vector<1536x256xf32>
    %mul3A_97 = arith.mulf %dot_general3A_80, %mul3A_96 : vector<1536x256xf32>
    %add3A_98 = arith.addf %add3A_73, %mul3A_97 : vector<1536x256xf32>
    %get3A_99 = arith.constant 0 : index
    %get3A_100 = arith.constant 0 : index
    %get3A_101 = vector.load %arg3[%get3A_99, %get3A_100] : memref<256x64xf32, #tpu.memory_space<vmem>>, vector<256x64xf32>
    %dot_general3A_102 = arith.constant dense<0.000000e+00> : vector<1536x64xf32>
    %dot_general3A_103 = tpu.matmul %add3A_98, %get3A_101, %dot_general3A_102 {dimension_numbers = #tpu.dot_dimension_numbers<[1], [0], [0], [1], [0, 0, 1, 1], [], []>, transpose_lhs_hint = false} : vector<1536x256xf32>, vector<256x64xf32>, vector<1536x64xf32> -> vector<1536x64xf32>
    %get3A_104 = arith.constant 0 : index
    %get3A_105 = arith.constant 0 : index
    %get3A_106 = vector.load %arg4[%get3A_104, %get3A_105] : memref<1024x64xf32, #tpu.memory_space<vmem>>, vector<1024x64xf32>
    %dot_general3A_107 = arith.constant dense<0.000000e+00> : vector<1536x1024xf32>
    %dot_general3A_108 = tpu.matmul %dot_general3A_103, %get3A_106, %dot_general3A_107 {dimension_numbers = #tpu.dot_dimension_numbers<[1], [1], [0], [0], [0, 0, 1, 0], [], []>, transpose_lhs_hint = false} : vector<1536x64xf32>, vector<1024x64xf32>, vector<1536x1024xf32> -> vector<1536x1024xf32>
    %mul3A_109 = arith.mulf %dot_general3A_103, %dot_general3A_103 : vector<1536x64xf32>
    %reduce_sum3A = arith.constant dense<0.000000e+00> : vector<1536xf32>
    %reduce_sum3A_110 = vector.multi_reduction <add>, %mul3A_109, %reduce_sum3A [1] : vector<1536x64xf32> to vector<1536xf32>
    %broadcast_in_dim3A = vector.shape_cast %reduce_sum3A_110 : vector<1536xf32> to vector<1536x1xf32>
    %mul3A_111 = arith.constant 2.000000e+00 : f32
    %mul3A_112 = vector.broadcast %mul3A_111 : f32 to vector<1536x1024xf32>
    %mul3A_113 = arith.mulf %mul3A_112, %dot_general3A_108 : vector<1536x1024xf32>
    %sub3A = vector.broadcast %broadcast_in_dim3A : vector<1536x1xf32> to vector<1536x1024xf32>
    %sub3A_114 = arith.subf %sub3A, %mul3A_113 : vector<1536x1024xf32>
    %get3A_115 = arith.constant 0 : index
    %get3A_116 = arith.constant 0 : index
    %get3A_117 = vector.load %arg6[%get3A_115, %get3A_116] : memref<1x1024xf32, #tpu.memory_space<vmem>>, vector<1x1024xf32>
    %add3A_118 = vector.broadcast %get3A_117 : vector<1x1024xf32> to vector<1536x1024xf32>
    %add3A_119 = arith.addf %sub3A_114, %add3A_118 : vector<1536x1024xf32>
    %reduce_min3A = arith.constant dense<0x7F800000> : vector<1536xf32>
    %reduce_min3A_120 = vector.multi_reduction <minimumf>, %add3A_119, %reduce_min3A [1] : vector<1536x1024xf32> to vector<1536xf32>
    %broadcast_in_dim3A_121 = vector.shape_cast %reduce_min3A_120 : vector<1536xf32> to vector<1536x1xf32>
    %iota3A = tpu.iota {dimensions = array<i32: 1>} : vector<1536x1024xi32>
    %le3A = vector.broadcast %broadcast_in_dim3A_121 : vector<1536x1xf32> to vector<1536x1024xf32>
    %le3A_122 = arith.cmpf ole, %add3A_119, %le3A : vector<1536x1024xf32>
    %jit3A = arith.constant 1024 : i32
    %broadcast_in_dim3A_123 = vector.broadcast %jit3A : i32 to vector<1536x1024xi32>
    %select_n3A = arith.select %le3A_122, %iota3A, %broadcast_in_dim3A_123 : vector<1536x1024xi1>, vector<1536x1024xi32>
    %reduce_min3A_124 = arith.constant dense<2147483647> : vector<1536xi32>
    %reduce_min3A_125 = vector.multi_reduction <minsi>, %select_n3A, %reduce_min3A_124 [1] : vector<1536x1024xi32> to vector<1536xi32>
    %reshape3A = vector.shape_cast %reduce_min3A_125 : vector<1536xi32> to vector<1x12x128xi32>
    %swap3A = arith.constant 0 : index
    %swap3A_126 = arith.constant 0 : index
    %swap3A_127 = arith.constant 0 : index
    %swap3A_128 = vector.load %arg5[%swap3A, %swap3A_126, %swap3A_127] : memref<1x12x128xi32, #tpu.memory_space<vmem>>, vector<1x12x128xi32>
    tpu.vector_store %arg5[%swap3A, %swap3A_126, %swap3A_127], %reshape3A {strides = array<i32>} : memref<1x12x128xi32, #tpu.memory_space<vmem>>, vector<1x12x128xi32>,
    return
  }
  func.func @transform_0(%arg0: i32) -> (i32, i32) {
    %c0_i32 = arith.constant 0 : i32
    %c0_i32_0 = arith.constant 0 : i32
    return %arg0, %c0_i32 : i32, i32
  }
  func.func @transform_1(%arg0: i32) -> (i32, i32, i32) {
    %c0_i32 = arith.constant 0 : i32
    %c0_i32_0 = arith.constant 0 : i32
    %c0_i32_1 = arith.constant 0 : i32
    %c0_i32_2 = arith.constant 0 : i32
    return %c0_i32, %c0_i32_0, %c0_i32_1 : i32, i32, i32
  }
  func.func @transform_2(%arg0: i32) -> (i32, i32) {
    %c0_i32 = arith.constant 0 : i32
    %c0_i32_0 = arith.constant 0 : i32
    %c0_i32_1 = arith.constant 0 : i32
    return %c0_i32, %c0_i32_0 : i32, i32
  }
  func.func @transform_3(%arg0: i32) -> (i32, i32) {
    %c0_i32 = arith.constant 0 : i32
    %c0_i32_0 = arith.constant 0 : i32
    %c0_i32_1 = arith.constant 0 : i32
    return %c0_i32, %c0_i32_0 : i32, i32
  }
  func.func @transform_4(%arg0: i32) -> (i32, i32, i32) {
    %c0_i32 = arith.constant 0 : i32
    %c0_i32_0 = arith.constant 0 : i32
    %c0_i32_1 = arith.constant 0 : i32
    return %arg0, %c0_i32, %c0_i32_0 : i32, i32, i32
  }
}

module attributes {stable_mosaic.version = 14 : i64} {
  func.func @_fused(%arg0: i32, %arg1: memref<1280x256xf32, #tpu.memory_space<vmem>>, %arg2: memref<4x256x256xf32, #tpu.memory_space<vmem>>, %arg3: memref<256x64xf32, #tpu.memory_space<vmem>>, %arg4: memref<1024x64xf32, #tpu.memory_space<vmem>>, %arg5: memref<64x256xbf16, #tpu.memory_space<vmem>>, %arg6: memref<4x256x256xbf16, #tpu.memory_space<vmem>>, %arg7: memref<256x256xbf16, #tpu.memory_space<vmem>>, %arg8: memref<1280x256xf32, #tpu.memory_space<vmem>>, %arg9: memref<1x10x128xi32, #tpu.memory_space<vmem>>, %arg10: memref<1x1024xf32, #tpu.memory_space<vmem>>, %arg11: memref<1024x256xbf16, #tpu.memory_space<vmem>>) attributes {dimension_semantics = [#tpu.dimension_semantics<arbitrary>], iteration_bounds = array<i64: 5>, scalar_prefetch = 0 : i64, scratch_operands = 2 : i64, tpu.core_type = #tpu.core_type<tc>, window_params = [{transform_indices = @transform_0, window_bounds = array<i64: 1280, 256>}, {pipeline_mode = #tpu.pipeline_mode<synchronous>, transform_indices = @transform_1, window_bounds = array<i64: 4, 256, 256>}, {pipeline_mode = #tpu.pipeline_mode<synchronous>, transform_indices = @transform_2, window_bounds = array<i64: 256, 64>}, {pipeline_mode = #tpu.pipeline_mode<synchronous>, transform_indices = @transform_3, window_bounds = array<i64: 1024, 64>}, {pipeline_mode = #tpu.pipeline_mode<synchronous>, transform_indices = @transform_4, window_bounds = array<i64: 64, 256>}, {pipeline_mode = #tpu.pipeline_mode<synchronous>, transform_indices = @transform_5, window_bounds = array<i64: 4, 256, 256>}, {pipeline_mode = #tpu.pipeline_mode<synchronous>, transform_indices = @transform_6, window_bounds = array<i64: 256, 256>}, {transform_indices = @transform_7, window_bounds = array<i64: 1280, 256>}, {transform_indices = @transform_8, window_bounds = array<i64: 1, 10, 128>}]} {
    %eq3A = arith.constant 0 : i32
    %eq3A_0 = arith.cmpi eq, %arg0, %eq3A : i32
    %convert_element_type3A = arith.extui %eq3A_0 : i1 to i32
    %cond3A = arith.constant 0 : i32
    %cond3A_1 = arith.cmpi ne, %convert_element_type3A, %cond3A : i32
    scf.if %cond3A_1 {
      %get3A_258 = arith.constant 0 : index
      %get3A_259 = arith.constant 0 : index
      %get3A_260 = vector.load %arg4[%get3A_258, %get3A_259] : memref<1024x64xf32, #tpu.memory_space<vmem>>, vector<1024x64xf32>
      %convert_element_type3A_261 = arith.truncf %get3A_260 : vector<1024x64xf32> to vector<1024x64xbf16>
      %get3A_262 = arith.constant 0 : index
      %get3A_263 = arith.constant 0 : index
      %get3A_264 = vector.load %arg5[%get3A_262, %get3A_263] : memref<64x256xbf16, #tpu.memory_space<vmem>>, vector<64x256xbf16>
      %dot_general3A_265 = arith.constant dense<0.000000e+00> : vector<1024x256xf32>
      %dot_general3A_266 = tpu.matmul %convert_element_type3A_261, %get3A_264, %dot_general3A_265 {dimension_numbers = #tpu.dot_dimension_numbers<[1], [0], [0], [1], [0, 0, 1, 1], [], []>, transpose_lhs_hint = false} : vector<1024x64xbf16>, vector<64x256xbf16>, vector<1024x256xf32> -> vector<1024x256xf32>
      %convert_element_type3A_267 = arith.truncf %dot_general3A_266 : vector<1024x256xf32> to vector<1024x256xbf16>
      %swap3A_268 = arith.constant 0 : index
      %swap3A_269 = arith.constant 0 : index
      %swap3A_270 = vector.load %arg11[%swap3A_268, %swap3A_269] : memref<1024x256xbf16, #tpu.memory_space<vmem>>, vector<1024x256xbf16>
      tpu.vector_store %arg11[%swap3A_268, %swap3A_269], %convert_element_type3A_267 {strides = array<i32>} : memref<1024x256xbf16, #tpu.memory_space<vmem>>, vector<1024x256xbf16>,
    } else {
    }
    %eq3A_2 = arith.constant 0 : i32
    %eq3A_3 = arith.cmpi eq, %arg0, %eq3A_2 : i32
    %convert_element_type3A_4 = arith.extui %eq3A_3 : i1 to i32
    %cond3A_5 = arith.constant 0 : i32
    %cond3A_6 = arith.cmpi ne, %convert_element_type3A_4, %cond3A_5 : i32
    scf.if %cond3A_6 {
      %get3A_258 = arith.constant 0 : index
      %get3A_259 = arith.constant 0 : index
      %get3A_260 = vector.load %arg4[%get3A_258, %get3A_259] : memref<1024x64xf32, #tpu.memory_space<vmem>>, vector<1024x64xf32>
      %mul3A_261 = arith.mulf %get3A_260, %get3A_260 : vector<1024x64xf32>
      %reduce_sum3A_262 = arith.constant dense<0.000000e+00> : vector<1024xf32>
      %reduce_sum3A_263 = vector.multi_reduction <add>, %mul3A_261, %reduce_sum3A_262 [1] : vector<1024x64xf32> to vector<1024xf32>
      %broadcast_in_dim3A_264 = vector.shape_cast %reduce_sum3A_263 : vector<1024xf32> to vector<1x1024xf32>
      %swap3A_265 = arith.constant 0 : index
      %swap3A_266 = arith.constant 0 : index
      %swap3A_267 = vector.load %arg10[%swap3A_265, %swap3A_266] : memref<1x1024xf32, #tpu.memory_space<vmem>>, vector<1x1024xf32>
      tpu.vector_store %arg10[%swap3A_265, %swap3A_266], %broadcast_in_dim3A_264 {strides = array<i32>} : memref<1x1024xf32, #tpu.memory_space<vmem>>, vector<1x1024xf32>,
    } else {
    }
    %get3A = arith.constant 0 : index
    %get3A_7 = arith.constant 0 : index
    %get3A_8 = vector.load %arg1[%get3A, %get3A_7] : memref<1280x256xf32, #tpu.memory_space<vmem>>, vector<1280x256xf32>
    %get3A_9 = arith.constant 0 : index
    %get3A_10 = arith.constant 0 : index
    %get3A_11 = arith.constant 0 : index
    %get3A_12 = vector.load %arg2[%get3A_9, %get3A_10, %get3A_11] : memref<4x256x256xf32, #tpu.memory_space<vmem>>, vector<1x256x256xf32>
    %get3A_13 = vector.shape_cast %get3A_12 : vector<1x256x256xf32> to vector<256x256xf32>
    %dot_general3A = arith.constant dense<0.000000e+00> : vector<1280x256xf32>
    %dot_general3A_14 = tpu.matmul %get3A_8, %get3A_13, %dot_general3A {dimension_numbers = #tpu.dot_dimension_numbers<[1], [0], [0], [1], [0, 0, 1, 1], [], []>, transpose_lhs_hint = false} : vector<1280x256xf32>, vector<256x256xf32>, vector<1280x256xf32> -> vector<1280x256xf32>
    %integer_pow3A = arith.mulf %dot_general3A_14, %dot_general3A_14 : vector<1280x256xf32>
    %integer_pow3A_15 = arith.mulf %dot_general3A_14, %integer_pow3A : vector<1280x256xf32>
    %mul3A = arith.constant 4.471500e-02 : f32
    %mul3A_16 = vector.broadcast %mul3A : f32 to vector<1280x256xf32>
    %mul3A_17 = arith.mulf %mul3A_16, %integer_pow3A_15 : vector<1280x256xf32>
    %add3A = arith.addf %dot_general3A_14, %mul3A_17 : vector<1280x256xf32>
    %mul3A_18 = arith.constant 0.797884583 : f32
    %mul3A_19 = vector.broadcast %mul3A_18 : f32 to vector<1280x256xf32>
    %mul3A_20 = arith.mulf %mul3A_19, %add3A : vector<1280x256xf32>
    %tanh3A = math.tanh %mul3A_20 : vector<1280x256xf32>
    %add3A_21 = arith.constant 1.000000e+00 : f32
    %add3A_22 = vector.broadcast %add3A_21 : f32 to vector<1280x256xf32>
    %add3A_23 = arith.addf %add3A_22, %tanh3A : vector<1280x256xf32>
    %mul3A_24 = arith.constant 5.000000e-01 : f32
    %mul3A_25 = vector.broadcast %mul3A_24 : f32 to vector<1280x256xf32>
    %mul3A_26 = arith.mulf %mul3A_25, %add3A_23 : vector<1280x256xf32>
    %mul3A_27 = arith.mulf %dot_general3A_14, %mul3A_26 : vector<1280x256xf32>
    %add3A_28 = arith.addf %get3A_8, %mul3A_27 : vector<1280x256xf32>
    %get3A_29 = arith.constant 1 : index
    %get3A_30 = arith.constant 0 : index
    %get3A_31 = arith.constant 0 : index
    %get3A_32 = vector.load %arg2[%get3A_29, %get3A_30, %get3A_31] : memref<4x256x256xf32, #tpu.memory_space<vmem>>, vector<1x256x256xf32>
    %get3A_33 = vector.shape_cast %get3A_32 : vector<1x256x256xf32> to vector<256x256xf32>
    %dot_general3A_34 = arith.constant dense<0.000000e+00> : vector<1280x256xf32>
    %dot_general3A_35 = tpu.matmul %add3A_28, %get3A_33, %dot_general3A_34 {dimension_numbers = #tpu.dot_dimension_numbers<[1], [0], [0], [1], [0, 0, 1, 1], [], []>, transpose_lhs_hint = false} : vector<1280x256xf32>, vector<256x256xf32>, vector<1280x256xf32> -> vector<1280x256xf32>
    %integer_pow3A_36 = arith.mulf %dot_general3A_35, %dot_general3A_35 : vector<1280x256xf32>
    %integer_pow3A_37 = arith.mulf %dot_general3A_35, %integer_pow3A_36 : vector<1280x256xf32>
    %mul3A_38 = arith.constant 4.471500e-02 : f32
    %mul3A_39 = vector.broadcast %mul3A_38 : f32 to vector<1280x256xf32>
    %mul3A_40 = arith.mulf %mul3A_39, %integer_pow3A_37 : vector<1280x256xf32>
    %add3A_41 = arith.addf %dot_general3A_35, %mul3A_40 : vector<1280x256xf32>
    %mul3A_42 = arith.constant 0.797884583 : f32
    %mul3A_43 = vector.broadcast %mul3A_42 : f32 to vector<1280x256xf32>
    %mul3A_44 = arith.mulf %mul3A_43, %add3A_41 : vector<1280x256xf32>
    %tanh3A_45 = math.tanh %mul3A_44 : vector<1280x256xf32>
    %add3A_46 = arith.constant 1.000000e+00 : f32
    %add3A_47 = vector.broadcast %add3A_46 : f32 to vector<1280x256xf32>
    %add3A_48 = arith.addf %add3A_47, %tanh3A_45 : vector<1280x256xf32>
    %mul3A_49 = arith.constant 5.000000e-01 : f32
    %mul3A_50 = vector.broadcast %mul3A_49 : f32 to vector<1280x256xf32>
    %mul3A_51 = arith.mulf %mul3A_50, %add3A_48 : vector<1280x256xf32>
    %mul3A_52 = arith.mulf %dot_general3A_35, %mul3A_51 : vector<1280x256xf32>
    %add3A_53 = arith.addf %add3A_28, %mul3A_52 : vector<1280x256xf32>
    %get3A_54 = arith.constant 2 : index
    %get3A_55 = arith.constant 0 : index
    %get3A_56 = arith.constant 0 : index
    %get3A_57 = vector.load %arg2[%get3A_54, %get3A_55, %get3A_56] : memref<4x256x256xf32, #tpu.memory_space<vmem>>, vector<1x256x256xf32>
    %get3A_58 = vector.shape_cast %get3A_57 : vector<1x256x256xf32> to vector<256x256xf32>
    %dot_general3A_59 = arith.constant dense<0.000000e+00> : vector<1280x256xf32>
    %dot_general3A_60 = tpu.matmul %add3A_53, %get3A_58, %dot_general3A_59 {dimension_numbers = #tpu.dot_dimension_numbers<[1], [0], [0], [1], [0, 0, 1, 1], [], []>, transpose_lhs_hint = false} : vector<1280x256xf32>, vector<256x256xf32>, vector<1280x256xf32> -> vector<1280x256xf32>
    %integer_pow3A_61 = arith.mulf %dot_general3A_60, %dot_general3A_60 : vector<1280x256xf32>
    %integer_pow3A_62 = arith.mulf %dot_general3A_60, %integer_pow3A_61 : vector<1280x256xf32>
    %mul3A_63 = arith.constant 4.471500e-02 : f32
    %mul3A_64 = vector.broadcast %mul3A_63 : f32 to vector<1280x256xf32>
    %mul3A_65 = arith.mulf %mul3A_64, %integer_pow3A_62 : vector<1280x256xf32>
    %add3A_66 = arith.addf %dot_general3A_60, %mul3A_65 : vector<1280x256xf32>
    %mul3A_67 = arith.constant 0.797884583 : f32
    %mul3A_68 = vector.broadcast %mul3A_67 : f32 to vector<1280x256xf32>
    %mul3A_69 = arith.mulf %mul3A_68, %add3A_66 : vector<1280x256xf32>
    %tanh3A_70 = math.tanh %mul3A_69 : vector<1280x256xf32>
    %add3A_71 = arith.constant 1.000000e+00 : f32
    %add3A_72 = vector.broadcast %add3A_71 : f32 to vector<1280x256xf32>
    %add3A_73 = arith.addf %add3A_72, %tanh3A_70 : vector<1280x256xf32>
    %mul3A_74 = arith.constant 5.000000e-01 : f32
    %mul3A_75 = vector.broadcast %mul3A_74 : f32 to vector<1280x256xf32>
    %mul3A_76 = arith.mulf %mul3A_75, %add3A_73 : vector<1280x256xf32>
    %mul3A_77 = arith.mulf %dot_general3A_60, %mul3A_76 : vector<1280x256xf32>
    %add3A_78 = arith.addf %add3A_53, %mul3A_77 : vector<1280x256xf32>
    %get3A_79 = arith.constant 3 : index
    %get3A_80 = arith.constant 0 : index
    %get3A_81 = arith.constant 0 : index
    %get3A_82 = vector.load %arg2[%get3A_79, %get3A_80, %get3A_81] : memref<4x256x256xf32, #tpu.memory_space<vmem>>, vector<1x256x256xf32>
    %get3A_83 = vector.shape_cast %get3A_82 : vector<1x256x256xf32> to vector<256x256xf32>
    %dot_general3A_84 = arith.constant dense<0.000000e+00> : vector<1280x256xf32>
    %dot_general3A_85 = tpu.matmul %add3A_78, %get3A_83, %dot_general3A_84 {dimension_numbers = #tpu.dot_dimension_numbers<[1], [0], [0], [1], [0, 0, 1, 1], [], []>, transpose_lhs_hint = false} : vector<1280x256xf32>, vector<256x256xf32>, vector<1280x256xf32> -> vector<1280x256xf32>
    %integer_pow3A_86 = arith.mulf %dot_general3A_85, %dot_general3A_85 : vector<1280x256xf32>
    %integer_pow3A_87 = arith.mulf %dot_general3A_85, %integer_pow3A_86 : vector<1280x256xf32>
    %mul3A_88 = arith.constant 4.471500e-02 : f32
    %mul3A_89 = vector.broadcast %mul3A_88 : f32 to vector<1280x256xf32>
    %mul3A_90 = arith.mulf %mul3A_89, %integer_pow3A_87 : vector<1280x256xf32>
    %add3A_91 = arith.addf %dot_general3A_85, %mul3A_90 : vector<1280x256xf32>
    %mul3A_92 = arith.constant 0.797884583 : f32
    %mul3A_93 = vector.broadcast %mul3A_92 : f32 to vector<1280x256xf32>
    %mul3A_94 = arith.mulf %mul3A_93, %add3A_91 : vector<1280x256xf32>
    %tanh3A_95 = math.tanh %mul3A_94 : vector<1280x256xf32>
    %add3A_96 = arith.constant 1.000000e+00 : f32
    %add3A_97 = vector.broadcast %add3A_96 : f32 to vector<1280x256xf32>
    %add3A_98 = arith.addf %add3A_97, %tanh3A_95 : vector<1280x256xf32>
    %mul3A_99 = arith.constant 5.000000e-01 : f32
    %mul3A_100 = vector.broadcast %mul3A_99 : f32 to vector<1280x256xf32>
    %mul3A_101 = arith.mulf %mul3A_100, %add3A_98 : vector<1280x256xf32>
    %mul3A_102 = arith.mulf %dot_general3A_85, %mul3A_101 : vector<1280x256xf32>
    %add3A_103 = arith.addf %add3A_78, %mul3A_102 : vector<1280x256xf32>
    %get3A_104 = arith.constant 0 : index
    %get3A_105 = arith.constant 0 : index
    %get3A_106 = vector.load %arg3[%get3A_104, %get3A_105] : memref<256x64xf32, #tpu.memory_space<vmem>>, vector<256x64xf32>
    %dot_general3A_107 = arith.constant dense<0.000000e+00> : vector<1280x64xf32>
    %dot_general3A_108 = tpu.matmul %add3A_103, %get3A_106, %dot_general3A_107 {dimension_numbers = #tpu.dot_dimension_numbers<[1], [0], [0], [1], [0, 0, 1, 1], [], []>, transpose_lhs_hint = false} : vector<1280x256xf32>, vector<256x64xf32>, vector<1280x64xf32> -> vector<1280x64xf32>
    %get3A_109 = arith.constant 0 : index
    %get3A_110 = arith.constant 0 : index
    %get3A_111 = vector.load %arg4[%get3A_109, %get3A_110] : memref<1024x64xf32, #tpu.memory_space<vmem>>, vector<1024x64xf32>
    %dot_general3A_112 = arith.constant dense<0.000000e+00> : vector<1280x1024xf32>
    %dot_general3A_113 = tpu.matmul %dot_general3A_108, %get3A_111, %dot_general3A_112 {dimension_numbers = #tpu.dot_dimension_numbers<[1], [1], [0], [0], [0, 0, 1, 0], [], []>, transpose_lhs_hint = false} : vector<1280x64xf32>, vector<1024x64xf32>, vector<1280x1024xf32> -> vector<1280x1024xf32>
    %mul3A_114 = arith.mulf %dot_general3A_108, %dot_general3A_108 : vector<1280x64xf32>
    %reduce_sum3A = arith.constant dense<0.000000e+00> : vector<1280xf32>
    %reduce_sum3A_115 = vector.multi_reduction <add>, %mul3A_114, %reduce_sum3A [1] : vector<1280x64xf32> to vector<1280xf32>
    %broadcast_in_dim3A = vector.shape_cast %reduce_sum3A_115 : vector<1280xf32> to vector<1280x1xf32>
    %mul3A_116 = arith.constant 2.000000e+00 : f32
    %mul3A_117 = vector.broadcast %mul3A_116 : f32 to vector<1280x1024xf32>
    %mul3A_118 = arith.mulf %mul3A_117, %dot_general3A_113 : vector<1280x1024xf32>
    %sub3A = vector.broadcast %broadcast_in_dim3A : vector<1280x1xf32> to vector<1280x1024xf32>
    %sub3A_119 = arith.subf %sub3A, %mul3A_118 : vector<1280x1024xf32>
    %get3A_120 = arith.constant 0 : index
    %get3A_121 = arith.constant 0 : index
    %get3A_122 = vector.load %arg10[%get3A_120, %get3A_121] : memref<1x1024xf32, #tpu.memory_space<vmem>>, vector<1x1024xf32>
    %add3A_123 = vector.broadcast %get3A_122 : vector<1x1024xf32> to vector<1280x1024xf32>
    %add3A_124 = arith.addf %sub3A_119, %add3A_123 : vector<1280x1024xf32>
    %reduce_min3A = arith.constant dense<0x7F800000> : vector<1280xf32>
    %reduce_min3A_125 = vector.multi_reduction <minimumf>, %add3A_124, %reduce_min3A [1] : vector<1280x1024xf32> to vector<1280xf32>
    %broadcast_in_dim3A_126 = vector.shape_cast %reduce_min3A_125 : vector<1280xf32> to vector<1280x1xf32>
    %iota3A = tpu.iota {dimensions = array<i32: 1>} : vector<1280x1024xi32>
    %le3A = vector.broadcast %broadcast_in_dim3A_126 : vector<1280x1xf32> to vector<1280x1024xf32>
    %le3A_127 = arith.cmpf ole, %add3A_124, %le3A : vector<1280x1024xf32>
    %jit3A = arith.constant 1024 : i32
    %broadcast_in_dim3A_128 = vector.broadcast %jit3A : i32 to vector<1280x1024xi32>
    %select_n3A = arith.select %le3A_127, %iota3A, %broadcast_in_dim3A_128 : vector<1280x1024xi1>, vector<1280x1024xi32>
    %reduce_min3A_129 = arith.constant dense<2147483647> : vector<1280xi32>
    %reduce_min3A_130 = vector.multi_reduction <minsi>, %select_n3A, %reduce_min3A_129 [1] : vector<1280x1024xi32> to vector<1280xi32>
    %broadcast_in_dim3A_131 = vector.shape_cast %reduce_min3A_130 : vector<1280xi32> to vector<1280x1xi32>
    %eq3A_132 = vector.broadcast %broadcast_in_dim3A_131 : vector<1280x1xi32> to vector<1280x1024xi32>
    %eq3A_133 = arith.cmpi eq, %iota3A, %eq3A_132 : vector<1280x1024xi32>
    %convert_element_type3A_134 = arith.extui %eq3A_133 : vector<1280x1024xi1> to vector<1280x1024xi32>
    %convert_element_type3A_135 = arith.sitofp %convert_element_type3A_134 : vector<1280x1024xi32> to vector<1280x1024xf32>
    %convert_element_type3A_136 = arith.truncf %convert_element_type3A_135 : vector<1280x1024xf32> to vector<1280x1024xbf16>
    %get3A_137 = arith.constant 0 : index
    %get3A_138 = arith.constant 0 : index
    %get3A_139 = vector.load %arg11[%get3A_137, %get3A_138] : memref<1024x256xbf16, #tpu.memory_space<vmem>>, vector<1024x256xbf16>
    %dot_general3A_140 = arith.constant dense<0.000000e+00> : vector<1280x256xf32>
    %dot_general3A_141 = tpu.matmul %convert_element_type3A_136, %get3A_139, %dot_general3A_140 {dimension_numbers = #tpu.dot_dimension_numbers<[1], [0], [0], [1], [0, 0, 1, 1], [], []>, transpose_lhs_hint = false} : vector<1280x1024xbf16>, vector<1024x256xbf16>, vector<1280x256xf32> -> vector<1280x256xf32>
    %convert_element_type3A_142 = arith.truncf %dot_general3A_141 : vector<1280x256xf32> to vector<1280x256xbf16>
    %get3A_143 = arith.constant 0 : index
    %get3A_144 = arith.constant 0 : index
    %get3A_145 = arith.constant 0 : index
    %get3A_146 = vector.load %arg6[%get3A_143, %get3A_144, %get3A_145] : memref<4x256x256xbf16, #tpu.memory_space<vmem>>, vector<1x256x256xbf16>
    %get3A_147 = vector.shape_cast %get3A_146 : vector<1x256x256xbf16> to vector<256x256xbf16>
    %dot_general3A_148 = arith.constant dense<0.000000e+00> : vector<1280x256xf32>
    %dot_general3A_149 = tpu.matmul %convert_element_type3A_142, %get3A_147, %dot_general3A_148 {dimension_numbers = #tpu.dot_dimension_numbers<[1], [0], [0], [1], [0, 0, 1, 1], [], []>, transpose_lhs_hint = false} : vector<1280x256xbf16>, vector<256x256xbf16>, vector<1280x256xf32> -> vector<1280x256xf32>
    %convert_element_type3A_150 = arith.truncf %dot_general3A_149 : vector<1280x256xf32> to vector<1280x256xbf16>
    %integer_pow3A_151 = arith.mulf %convert_element_type3A_150, %convert_element_type3A_150 : vector<1280x256xbf16>
    %integer_pow3A_152 = arith.mulf %convert_element_type3A_150, %integer_pow3A_151 : vector<1280x256xbf16>
    %mul3A_153 = arith.constant 4.467770e-02 : bf16
    %mul3A_154 = vector.broadcast %mul3A_153 : bf16 to vector<1280x256xbf16>
    %mul3A_155 = arith.mulf %mul3A_154, %integer_pow3A_152 : vector<1280x256xbf16>
    %add3A_156 = arith.addf %convert_element_type3A_150, %mul3A_155 : vector<1280x256xbf16>
    %mul3A_157 = arith.constant 7.968750e-01 : bf16
    %mul3A_158 = vector.broadcast %mul3A_157 : bf16 to vector<1280x256xbf16>
    %mul3A_159 = arith.mulf %mul3A_158, %add3A_156 : vector<1280x256xbf16>
    %tanh3A_160 = math.tanh %mul3A_159 : vector<1280x256xbf16>
    %add3A_161 = arith.constant 1.000000e+00 : bf16
    %add3A_162 = vector.broadcast %add3A_161 : bf16 to vector<1280x256xbf16>
    %add3A_163 = arith.addf %add3A_162, %tanh3A_160 : vector<1280x256xbf16>
    %mul3A_164 = arith.constant 5.000000e-01 : bf16
    %mul3A_165 = vector.broadcast %mul3A_164 : bf16 to vector<1280x256xbf16>
    %mul3A_166 = arith.mulf %mul3A_165, %add3A_163 : vector<1280x256xbf16>
    %mul3A_167 = arith.mulf %convert_element_type3A_150, %mul3A_166 : vector<1280x256xbf16>
    %add3A_168 = arith.addf %convert_element_type3A_142, %mul3A_167 : vector<1280x256xbf16>
    %get3A_169 = arith.constant 1 : index
    %get3A_170 = arith.constant 0 : index
    %get3A_171 = arith.constant 0 : index
    %get3A_172 = vector.load %arg6[%get3A_169, %get3A_170, %get3A_171] : memref<4x256x256xbf16, #tpu.memory_space<vmem>>, vector<1x256x256xbf16>
    %get3A_173 = vector.shape_cast %get3A_172 : vector<1x256x256xbf16> to vector<256x256xbf16>
    %dot_general3A_174 = arith.constant dense<0.000000e+00> : vector<1280x256xf32>
    %dot_general3A_175 = tpu.matmul %add3A_168, %get3A_173, %dot_general3A_174 {dimension_numbers = #tpu.dot_dimension_numbers<[1], [0], [0], [1], [0, 0, 1, 1], [], []>, transpose_lhs_hint = false} : vector<1280x256xbf16>, vector<256x256xbf16>, vector<1280x256xf32> -> vector<1280x256xf32>
    %convert_element_type3A_176 = arith.truncf %dot_general3A_175 : vector<1280x256xf32> to vector<1280x256xbf16>
    %integer_pow3A_177 = arith.mulf %convert_element_type3A_176, %convert_element_type3A_176 : vector<1280x256xbf16>
    %integer_pow3A_178 = arith.mulf %convert_element_type3A_176, %integer_pow3A_177 : vector<1280x256xbf16>
    %mul3A_179 = arith.constant 4.467770e-02 : bf16
    %mul3A_180 = vector.broadcast %mul3A_179 : bf16 to vector<1280x256xbf16>
    %mul3A_181 = arith.mulf %mul3A_180, %integer_pow3A_178 : vector<1280x256xbf16>
    %add3A_182 = arith.addf %convert_element_type3A_176, %mul3A_181 : vector<1280x256xbf16>
    %mul3A_183 = arith.constant 7.968750e-01 : bf16
    %mul3A_184 = vector.broadcast %mul3A_183 : bf16 to vector<1280x256xbf16>
    %mul3A_185 = arith.mulf %mul3A_184, %add3A_182 : vector<1280x256xbf16>
    %tanh3A_186 = math.tanh %mul3A_185 : vector<1280x256xbf16>
    %add3A_187 = arith.constant 1.000000e+00 : bf16
    %add3A_188 = vector.broadcast %add3A_187 : bf16 to vector<1280x256xbf16>
    %add3A_189 = arith.addf %add3A_188, %tanh3A_186 : vector<1280x256xbf16>
    %mul3A_190 = arith.constant 5.000000e-01 : bf16
    %mul3A_191 = vector.broadcast %mul3A_190 : bf16 to vector<1280x256xbf16>
    %mul3A_192 = arith.mulf %mul3A_191, %add3A_189 : vector<1280x256xbf16>
    %mul3A_193 = arith.mulf %convert_element_type3A_176, %mul3A_192 : vector<1280x256xbf16>
    %add3A_194 = arith.addf %add3A_168, %mul3A_193 : vector<1280x256xbf16>
    %get3A_195 = arith.constant 2 : index
    %get3A_196 = arith.constant 0 : index
    %get3A_197 = arith.constant 0 : index
    %get3A_198 = vector.load %arg6[%get3A_195, %get3A_196, %get3A_197] : memref<4x256x256xbf16, #tpu.memory_space<vmem>>, vector<1x256x256xbf16>
    %get3A_199 = vector.shape_cast %get3A_198 : vector<1x256x256xbf16> to vector<256x256xbf16>
    %dot_general3A_200 = arith.constant dense<0.000000e+00> : vector<1280x256xf32>
    %dot_general3A_201 = tpu.matmul %add3A_194, %get3A_199, %dot_general3A_200 {dimension_numbers = #tpu.dot_dimension_numbers<[1], [0], [0], [1], [0, 0, 1, 1], [], []>, transpose_lhs_hint = false} : vector<1280x256xbf16>, vector<256x256xbf16>, vector<1280x256xf32> -> vector<1280x256xf32>
    %convert_element_type3A_202 = arith.truncf %dot_general3A_201 : vector<1280x256xf32> to vector<1280x256xbf16>
    %integer_pow3A_203 = arith.mulf %convert_element_type3A_202, %convert_element_type3A_202 : vector<1280x256xbf16>
    %integer_pow3A_204 = arith.mulf %convert_element_type3A_202, %integer_pow3A_203 : vector<1280x256xbf16>
    %mul3A_205 = arith.constant 4.467770e-02 : bf16
    %mul3A_206 = vector.broadcast %mul3A_205 : bf16 to vector<1280x256xbf16>
    %mul3A_207 = arith.mulf %mul3A_206, %integer_pow3A_204 : vector<1280x256xbf16>
    %add3A_208 = arith.addf %convert_element_type3A_202, %mul3A_207 : vector<1280x256xbf16>
    %mul3A_209 = arith.constant 7.968750e-01 : bf16
    %mul3A_210 = vector.broadcast %mul3A_209 : bf16 to vector<1280x256xbf16>
    %mul3A_211 = arith.mulf %mul3A_210, %add3A_208 : vector<1280x256xbf16>
    %tanh3A_212 = math.tanh %mul3A_211 : vector<1280x256xbf16>
    %add3A_213 = arith.constant 1.000000e+00 : bf16
    %add3A_214 = vector.broadcast %add3A_213 : bf16 to vector<1280x256xbf16>
    %add3A_215 = arith.addf %add3A_214, %tanh3A_212 : vector<1280x256xbf16>
    %mul3A_216 = arith.constant 5.000000e-01 : bf16
    %mul3A_217 = vector.broadcast %mul3A_216 : bf16 to vector<1280x256xbf16>
    %mul3A_218 = arith.mulf %mul3A_217, %add3A_215 : vector<1280x256xbf16>
    %mul3A_219 = arith.mulf %convert_element_type3A_202, %mul3A_218 : vector<1280x256xbf16>
    %add3A_220 = arith.addf %add3A_194, %mul3A_219 : vector<1280x256xbf16>
    %get3A_221 = arith.constant 3 : index
    %get3A_222 = arith.constant 0 : index
    %get3A_223 = arith.constant 0 : index
    %get3A_224 = vector.load %arg6[%get3A_221, %get3A_222, %get3A_223] : memref<4x256x256xbf16, #tpu.memory_space<vmem>>, vector<1x256x256xbf16>
    %get3A_225 = vector.shape_cast %get3A_224 : vector<1x256x256xbf16> to vector<256x256xbf16>
    %dot_general3A_226 = arith.constant dense<0.000000e+00> : vector<1280x256xf32>
    %dot_general3A_227 = tpu.matmul %add3A_220, %get3A_225, %dot_general3A_226 {dimension_numbers = #tpu.dot_dimension_numbers<[1], [0], [0], [1], [0, 0, 1, 1], [], []>, transpose_lhs_hint = false} : vector<1280x256xbf16>, vector<256x256xbf16>, vector<1280x256xf32> -> vector<1280x256xf32>
    %convert_element_type3A_228 = arith.truncf %dot_general3A_227 : vector<1280x256xf32> to vector<1280x256xbf16>
    %integer_pow3A_229 = arith.mulf %convert_element_type3A_228, %convert_element_type3A_228 : vector<1280x256xbf16>
    %integer_pow3A_230 = arith.mulf %convert_element_type3A_228, %integer_pow3A_229 : vector<1280x256xbf16>
    %mul3A_231 = arith.constant 4.467770e-02 : bf16
    %mul3A_232 = vector.broadcast %mul3A_231 : bf16 to vector<1280x256xbf16>
    %mul3A_233 = arith.mulf %mul3A_232, %integer_pow3A_230 : vector<1280x256xbf16>
    %add3A_234 = arith.addf %convert_element_type3A_228, %mul3A_233 : vector<1280x256xbf16>
    %mul3A_235 = arith.constant 7.968750e-01 : bf16
    %mul3A_236 = vector.broadcast %mul3A_235 : bf16 to vector<1280x256xbf16>
    %mul3A_237 = arith.mulf %mul3A_236, %add3A_234 : vector<1280x256xbf16>
    %tanh3A_238 = math.tanh %mul3A_237 : vector<1280x256xbf16>
    %add3A_239 = arith.constant 1.000000e+00 : bf16
    %add3A_240 = vector.broadcast %add3A_239 : bf16 to vector<1280x256xbf16>
    %add3A_241 = arith.addf %add3A_240, %tanh3A_238 : vector<1280x256xbf16>
    %mul3A_242 = arith.constant 5.000000e-01 : bf16
    %mul3A_243 = vector.broadcast %mul3A_242 : bf16 to vector<1280x256xbf16>
    %mul3A_244 = arith.mulf %mul3A_243, %add3A_241 : vector<1280x256xbf16>
    %mul3A_245 = arith.mulf %convert_element_type3A_228, %mul3A_244 : vector<1280x256xbf16>
    %add3A_246 = arith.addf %add3A_220, %mul3A_245 : vector<1280x256xbf16>
    %get3A_247 = arith.constant 0 : index
    %get3A_248 = arith.constant 0 : index
    %get3A_249 = vector.load %arg7[%get3A_247, %get3A_248] : memref<256x256xbf16, #tpu.memory_space<vmem>>, vector<256x256xbf16>
    %dot_general3A_250 = arith.constant dense<0.000000e+00> : vector<1280x256xf32>
    %dot_general3A_251 = tpu.matmul %add3A_246, %get3A_249, %dot_general3A_250 {dimension_numbers = #tpu.dot_dimension_numbers<[1], [0], [0], [1], [0, 0, 1, 1], [], []>, transpose_lhs_hint = false} : vector<1280x256xbf16>, vector<256x256xbf16>, vector<1280x256xf32> -> vector<1280x256xf32>
    %swap3A = arith.constant 0 : index
    %swap3A_252 = arith.constant 0 : index
    %swap3A_253 = vector.load %arg8[%swap3A, %swap3A_252] : memref<1280x256xf32, #tpu.memory_space<vmem>>, vector<1280x256xf32>
    tpu.vector_store %arg8[%swap3A, %swap3A_252], %dot_general3A_251 {strides = array<i32>} : memref<1280x256xf32, #tpu.memory_space<vmem>>, vector<1280x256xf32>,
    %reshape3A = vector.shape_cast %reduce_min3A_130 : vector<1280xi32> to vector<1x10x128xi32>
    %swap3A_254 = arith.constant 0 : index
    %swap3A_255 = arith.constant 0 : index
    %swap3A_256 = arith.constant 0 : index
    %swap3A_257 = vector.load %arg9[%swap3A_254, %swap3A_255, %swap3A_256] : memref<1x10x128xi32, #tpu.memory_space<vmem>>, vector<1x10x128xi32>
    tpu.vector_store %arg9[%swap3A_254, %swap3A_255, %swap3A_256], %reshape3A {strides = array<i32>} : memref<1x10x128xi32, #tpu.memory_space<vmem>>, vector<1x10x128xi32>,
    return
  }
  func.func @transform_0(%arg0: i32) -> (i32, i32) {
    %c0_i32 = arith.constant 0 : i32
    %c0_i32_0 = arith.constant 0 : i32
    return %arg0, %c0_i32 : i32, i32
  }
  func.func @transform_1(%arg0: i32) -> (i32, i32, i32) {
    %c0_i32 = arith.constant 0 : i32
    %c0_i32_0 = arith.constant 0 : i32
    %c0_i32_1 = arith.constant 0 : i32
    %c0_i32_2 = arith.constant 0 : i32
    return %c0_i32, %c0_i32_0, %c0_i32_1 : i32, i32, i32
  }
  func.func @transform_2(%arg0: i32) -> (i32, i32) {
    %c0_i32 = arith.constant 0 : i32
    %c0_i32_0 = arith.constant 0 : i32
    %c0_i32_1 = arith.constant 0 : i32
    return %c0_i32, %c0_i32_0 : i32, i32
  }
  func.func @transform_3(%arg0: i32) -> (i32, i32) {
    %c0_i32 = arith.constant 0 : i32
    %c0_i32_0 = arith.constant 0 : i32
    %c0_i32_1 = arith.constant 0 : i32
    return %c0_i32, %c0_i32_0 : i32, i32
  }
  func.func @transform_4(%arg0: i32) -> (i32, i32) {
    %c0_i32 = arith.constant 0 : i32
    %c0_i32_0 = arith.constant 0 : i32
    %c0_i32_1 = arith.constant 0 : i32
    return %c0_i32, %c0_i32_0 : i32, i32
  }
  func.func @transform_5(%arg0: i32) -> (i32, i32, i32) {
    %c0_i32 = arith.constant 0 : i32
    %c0_i32_0 = arith.constant 0 : i32
    %c0_i32_1 = arith.constant 0 : i32
    %c0_i32_2 = arith.constant 0 : i32
    return %c0_i32, %c0_i32_0, %c0_i32_1 : i32, i32, i32
  }
  func.func @transform_6(%arg0: i32) -> (i32, i32) {
    %c0_i32 = arith.constant 0 : i32
    %c0_i32_0 = arith.constant 0 : i32
    %c0_i32_1 = arith.constant 0 : i32
    return %c0_i32, %c0_i32_0 : i32, i32
  }
  func.func @transform_7(%arg0: i32) -> (i32, i32) {
    %c0_i32 = arith.constant 0 : i32
    %c0_i32_0 = arith.constant 0 : i32
    return %arg0, %c0_i32 : i32, i32
  }
  func.func @transform_8(%arg0: i32) -> (i32, i32, i32) {
    %c0_i32 = arith.constant 0 : i32
    %c0_i32_0 = arith.constant 0 : i32
    %c0_i32_1 = arith.constant 0 : i32
    return %arg0, %c0_i32, %c0_i32_0 : i32, i32, i32
  }
}

module attributes {stable_mosaic.version = 14 : i64} {
  func.func @_decode(%arg0: i32, %arg1: memref<1536x128xf32, #tpu.memory_space<vmem>>, %arg2: memref<64x256xbf16, #tpu.memory_space<vmem>>, %arg3: memref<4x256x256xbf16, #tpu.memory_space<vmem>>, %arg4: memref<256x256xbf16, #tpu.memory_space<vmem>>, %arg5: memref<1536x256xf32, #tpu.memory_space<vmem>>) attributes {dimension_semantics = [#tpu.dimension_semantics<arbitrary>], iteration_bounds = array<i64: 4>, scalar_prefetch = 0 : i64, scratch_operands = 0 : i64, tpu.core_type = #tpu.core_type<tc>, window_params = [{transform_indices = @transform_0, window_bounds = array<i64: 1536, 128>}, {pipeline_mode = #tpu.pipeline_mode<synchronous>, transform_indices = @transform_1, window_bounds = array<i64: 64, 256>}, {pipeline_mode = #tpu.pipeline_mode<synchronous>, transform_indices = @transform_2, window_bounds = array<i64: 4, 256, 256>}, {pipeline_mode = #tpu.pipeline_mode<synchronous>, transform_indices = @transform_3, window_bounds = array<i64: 256, 256>}, {transform_indices = @transform_4, window_bounds = array<i64: 1536, 256>}]} {
    %get3A = arith.constant 0 : index
    %get3A_0 = arith.constant 0 : index
    %get3A_1 = vector.load %arg1[%get3A, %get3A_0] : memref<1536x128xf32, #tpu.memory_space<vmem>>, vector<1536x64xf32>
    %convert_element_type3A = arith.truncf %get3A_1 : vector<1536x64xf32> to vector<1536x64xbf16>
    %get3A_2 = arith.constant 0 : index
    %get3A_3 = arith.constant 0 : index
    %get3A_4 = vector.load %arg2[%get3A_2, %get3A_3] : memref<64x256xbf16, #tpu.memory_space<vmem>>, vector<64x256xbf16>
    %dot_general3A = arith.constant dense<0.000000e+00> : vector<1536x256xf32>
    %dot_general3A_5 = tpu.matmul %convert_element_type3A, %get3A_4, %dot_general3A {dimension_numbers = #tpu.dot_dimension_numbers<[1], [0], [0], [1], [0, 0, 1, 1], [], []>, transpose_lhs_hint = false} : vector<1536x64xbf16>, vector<64x256xbf16>, vector<1536x256xf32> -> vector<1536x256xf32>
    %convert_element_type3A_6 = arith.truncf %dot_general3A_5 : vector<1536x256xf32> to vector<1536x256xbf16>
    %get3A_7 = arith.constant 0 : index
    %get3A_8 = arith.constant 0 : index
    %get3A_9 = arith.constant 0 : index
    %get3A_10 = vector.load %arg3[%get3A_7, %get3A_8, %get3A_9] : memref<4x256x256xbf16, #tpu.memory_space<vmem>>, vector<1x256x256xbf16>
    %get3A_11 = vector.shape_cast %get3A_10 : vector<1x256x256xbf16> to vector<256x256xbf16>
    %dot_general3A_12 = arith.constant dense<0.000000e+00> : vector<1536x256xf32>
    %dot_general3A_13 = tpu.matmul %convert_element_type3A_6, %get3A_11, %dot_general3A_12 {dimension_numbers = #tpu.dot_dimension_numbers<[1], [0], [0], [1], [0, 0, 1, 1], [], []>, transpose_lhs_hint = false} : vector<1536x256xbf16>, vector<256x256xbf16>, vector<1536x256xf32> -> vector<1536x256xf32>
    %convert_element_type3A_14 = arith.truncf %dot_general3A_13 : vector<1536x256xf32> to vector<1536x256xbf16>
    %integer_pow3A = arith.mulf %convert_element_type3A_14, %convert_element_type3A_14 : vector<1536x256xbf16>
    %integer_pow3A_15 = arith.mulf %convert_element_type3A_14, %integer_pow3A : vector<1536x256xbf16>
    %mul3A = arith.constant 4.467770e-02 : bf16
    %mul3A_16 = vector.broadcast %mul3A : bf16 to vector<1536x256xbf16>
    %mul3A_17 = arith.mulf %mul3A_16, %integer_pow3A_15 : vector<1536x256xbf16>
    %add3A = arith.addf %convert_element_type3A_14, %mul3A_17 : vector<1536x256xbf16>
    %mul3A_18 = arith.constant 7.968750e-01 : bf16
    %mul3A_19 = vector.broadcast %mul3A_18 : bf16 to vector<1536x256xbf16>
    %mul3A_20 = arith.mulf %mul3A_19, %add3A : vector<1536x256xbf16>
    %tanh3A = math.tanh %mul3A_20 : vector<1536x256xbf16>
    %add3A_21 = arith.constant 1.000000e+00 : bf16
    %add3A_22 = vector.broadcast %add3A_21 : bf16 to vector<1536x256xbf16>
    %add3A_23 = arith.addf %add3A_22, %tanh3A : vector<1536x256xbf16>
    %mul3A_24 = arith.constant 5.000000e-01 : bf16
    %mul3A_25 = vector.broadcast %mul3A_24 : bf16 to vector<1536x256xbf16>
    %mul3A_26 = arith.mulf %mul3A_25, %add3A_23 : vector<1536x256xbf16>
    %mul3A_27 = arith.mulf %convert_element_type3A_14, %mul3A_26 : vector<1536x256xbf16>
    %add3A_28 = arith.addf %convert_element_type3A_6, %mul3A_27 : vector<1536x256xbf16>
    %get3A_29 = arith.constant 1 : index
    %get3A_30 = arith.constant 0 : index
    %get3A_31 = arith.constant 0 : index
    %get3A_32 = vector.load %arg3[%get3A_29, %get3A_30, %get3A_31] : memref<4x256x256xbf16, #tpu.memory_space<vmem>>, vector<1x256x256xbf16>
    %get3A_33 = vector.shape_cast %get3A_32 : vector<1x256x256xbf16> to vector<256x256xbf16>
    %dot_general3A_34 = arith.constant dense<0.000000e+00> : vector<1536x256xf32>
    %dot_general3A_35 = tpu.matmul %add3A_28, %get3A_33, %dot_general3A_34 {dimension_numbers = #tpu.dot_dimension_numbers<[1], [0], [0], [1], [0, 0, 1, 1], [], []>, transpose_lhs_hint = false} : vector<1536x256xbf16>, vector<256x256xbf16>, vector<1536x256xf32> -> vector<1536x256xf32>
    %convert_element_type3A_36 = arith.truncf %dot_general3A_35 : vector<1536x256xf32> to vector<1536x256xbf16>
    %integer_pow3A_37 = arith.mulf %convert_element_type3A_36, %convert_element_type3A_36 : vector<1536x256xbf16>
    %integer_pow3A_38 = arith.mulf %convert_element_type3A_36, %integer_pow3A_37 : vector<1536x256xbf16>
    %mul3A_39 = arith.constant 4.467770e-02 : bf16
    %mul3A_40 = vector.broadcast %mul3A_39 : bf16 to vector<1536x256xbf16>
    %mul3A_41 = arith.mulf %mul3A_40, %integer_pow3A_38 : vector<1536x256xbf16>
    %add3A_42 = arith.addf %convert_element_type3A_36, %mul3A_41 : vector<1536x256xbf16>
    %mul3A_43 = arith.constant 7.968750e-01 : bf16
    %mul3A_44 = vector.broadcast %mul3A_43 : bf16 to vector<1536x256xbf16>
    %mul3A_45 = arith.mulf %mul3A_44, %add3A_42 : vector<1536x256xbf16>
    %tanh3A_46 = math.tanh %mul3A_45 : vector<1536x256xbf16>
    %add3A_47 = arith.constant 1.000000e+00 : bf16
    %add3A_48 = vector.broadcast %add3A_47 : bf16 to vector<1536x256xbf16>
    %add3A_49 = arith.addf %add3A_48, %tanh3A_46 : vector<1536x256xbf16>
    %mul3A_50 = arith.constant 5.000000e-01 : bf16
    %mul3A_51 = vector.broadcast %mul3A_50 : bf16 to vector<1536x256xbf16>
    %mul3A_52 = arith.mulf %mul3A_51, %add3A_49 : vector<1536x256xbf16>
    %mul3A_53 = arith.mulf %convert_element_type3A_36, %mul3A_52 : vector<1536x256xbf16>
    %add3A_54 = arith.addf %add3A_28, %mul3A_53 : vector<1536x256xbf16>
    %get3A_55 = arith.constant 2 : index
    %get3A_56 = arith.constant 0 : index
    %get3A_57 = arith.constant 0 : index
    %get3A_58 = vector.load %arg3[%get3A_55, %get3A_56, %get3A_57] : memref<4x256x256xbf16, #tpu.memory_space<vmem>>, vector<1x256x256xbf16>
    %get3A_59 = vector.shape_cast %get3A_58 : vector<1x256x256xbf16> to vector<256x256xbf16>
    %dot_general3A_60 = arith.constant dense<0.000000e+00> : vector<1536x256xf32>
    %dot_general3A_61 = tpu.matmul %add3A_54, %get3A_59, %dot_general3A_60 {dimension_numbers = #tpu.dot_dimension_numbers<[1], [0], [0], [1], [0, 0, 1, 1], [], []>, transpose_lhs_hint = false} : vector<1536x256xbf16>, vector<256x256xbf16>, vector<1536x256xf32> -> vector<1536x256xf32>
    %convert_element_type3A_62 = arith.truncf %dot_general3A_61 : vector<1536x256xf32> to vector<1536x256xbf16>
    %integer_pow3A_63 = arith.mulf %convert_element_type3A_62, %convert_element_type3A_62 : vector<1536x256xbf16>
    %integer_pow3A_64 = arith.mulf %convert_element_type3A_62, %integer_pow3A_63 : vector<1536x256xbf16>
    %mul3A_65 = arith.constant 4.467770e-02 : bf16
    %mul3A_66 = vector.broadcast %mul3A_65 : bf16 to vector<1536x256xbf16>
    %mul3A_67 = arith.mulf %mul3A_66, %integer_pow3A_64 : vector<1536x256xbf16>
    %add3A_68 = arith.addf %convert_element_type3A_62, %mul3A_67 : vector<1536x256xbf16>
    %mul3A_69 = arith.constant 7.968750e-01 : bf16
    %mul3A_70 = vector.broadcast %mul3A_69 : bf16 to vector<1536x256xbf16>
    %mul3A_71 = arith.mulf %mul3A_70, %add3A_68 : vector<1536x256xbf16>
    %tanh3A_72 = math.tanh %mul3A_71 : vector<1536x256xbf16>
    %add3A_73 = arith.constant 1.000000e+00 : bf16
    %add3A_74 = vector.broadcast %add3A_73 : bf16 to vector<1536x256xbf16>
    %add3A_75 = arith.addf %add3A_74, %tanh3A_72 : vector<1536x256xbf16>
    %mul3A_76 = arith.constant 5.000000e-01 : bf16
    %mul3A_77 = vector.broadcast %mul3A_76 : bf16 to vector<1536x256xbf16>
    %mul3A_78 = arith.mulf %mul3A_77, %add3A_75 : vector<1536x256xbf16>
    %mul3A_79 = arith.mulf %convert_element_type3A_62, %mul3A_78 : vector<1536x256xbf16>
    %add3A_80 = arith.addf %add3A_54, %mul3A_79 : vector<1536x256xbf16>
    %get3A_81 = arith.constant 3 : index
    %get3A_82 = arith.constant 0 : index
    %get3A_83 = arith.constant 0 : index
    %get3A_84 = vector.load %arg3[%get3A_81, %get3A_82, %get3A_83] : memref<4x256x256xbf16, #tpu.memory_space<vmem>>, vector<1x256x256xbf16>
    %get3A_85 = vector.shape_cast %get3A_84 : vector<1x256x256xbf16> to vector<256x256xbf16>
    %dot_general3A_86 = arith.constant dense<0.000000e+00> : vector<1536x256xf32>
    %dot_general3A_87 = tpu.matmul %add3A_80, %get3A_85, %dot_general3A_86 {dimension_numbers = #tpu.dot_dimension_numbers<[1], [0], [0], [1], [0, 0, 1, 1], [], []>, transpose_lhs_hint = false} : vector<1536x256xbf16>, vector<256x256xbf16>, vector<1536x256xf32> -> vector<1536x256xf32>
    %convert_element_type3A_88 = arith.truncf %dot_general3A_87 : vector<1536x256xf32> to vector<1536x256xbf16>
    %integer_pow3A_89 = arith.mulf %convert_element_type3A_88, %convert_element_type3A_88 : vector<1536x256xbf16>
    %integer_pow3A_90 = arith.mulf %convert_element_type3A_88, %integer_pow3A_89 : vector<1536x256xbf16>
    %mul3A_91 = arith.constant 4.467770e-02 : bf16
    %mul3A_92 = vector.broadcast %mul3A_91 : bf16 to vector<1536x256xbf16>
    %mul3A_93 = arith.mulf %mul3A_92, %integer_pow3A_90 : vector<1536x256xbf16>
    %add3A_94 = arith.addf %convert_element_type3A_88, %mul3A_93 : vector<1536x256xbf16>
    %mul3A_95 = arith.constant 7.968750e-01 : bf16
    %mul3A_96 = vector.broadcast %mul3A_95 : bf16 to vector<1536x256xbf16>
    %mul3A_97 = arith.mulf %mul3A_96, %add3A_94 : vector<1536x256xbf16>
    %tanh3A_98 = math.tanh %mul3A_97 : vector<1536x256xbf16>
    %add3A_99 = arith.constant 1.000000e+00 : bf16
    %add3A_100 = vector.broadcast %add3A_99 : bf16 to vector<1536x256xbf16>
    %add3A_101 = arith.addf %add3A_100, %tanh3A_98 : vector<1536x256xbf16>
    %mul3A_102 = arith.constant 5.000000e-01 : bf16
    %mul3A_103 = vector.broadcast %mul3A_102 : bf16 to vector<1536x256xbf16>
    %mul3A_104 = arith.mulf %mul3A_103, %add3A_101 : vector<1536x256xbf16>
    %mul3A_105 = arith.mulf %convert_element_type3A_88, %mul3A_104 : vector<1536x256xbf16>
    %add3A_106 = arith.addf %add3A_80, %mul3A_105 : vector<1536x256xbf16>
    %get3A_107 = arith.constant 0 : index
    %get3A_108 = arith.constant 0 : index
    %get3A_109 = vector.load %arg4[%get3A_107, %get3A_108] : memref<256x256xbf16, #tpu.memory_space<vmem>>, vector<256x256xbf16>
    %dot_general3A_110 = arith.constant dense<0.000000e+00> : vector<1536x256xf32>
    %dot_general3A_111 = tpu.matmul %add3A_106, %get3A_109, %dot_general3A_110 {dimension_numbers = #tpu.dot_dimension_numbers<[1], [0], [0], [1], [0, 0, 1, 1], [], []>, transpose_lhs_hint = false} : vector<1536x256xbf16>, vector<256x256xbf16>, vector<1536x256xf32> -> vector<1536x256xf32>
    %swap3A = arith.constant 0 : index
    %swap3A_112 = arith.constant 0 : index
    %swap3A_113 = vector.load %arg5[%swap3A, %swap3A_112] : memref<1536x256xf32, #tpu.memory_space<vmem>>, vector<1536x256xf32>
    tpu.vector_store %arg5[%swap3A, %swap3A_112], %dot_general3A_111 {strides = array<i32>} : memref<1536x256xf32, #tpu.memory_space<vmem>>, vector<1536x256xf32>,
    return
  }
  func.func @transform_0(%arg0: i32) -> (i32, i32) {
    %c0_i32 = arith.constant 0 : i32
    %c0_i32_0 = arith.constant 0 : i32
    return %arg0, %c0_i32 : i32, i32
  }
  func.func @transform_1(%arg0: i32) -> (i32, i32) {
    %c0_i32 = arith.constant 0 : i32
    %c0_i32_0 = arith.constant 0 : i32
    %c0_i32_1 = arith.constant 0 : i32
    return %c0_i32, %c0_i32_0 : i32, i32
  }
  func.func @transform_2(%arg0: i32) -> (i32, i32, i32) {
    %c0_i32 = arith.constant 0 : i32
    %c0_i32_0 = arith.constant 0 : i32
    %c0_i32_1 = arith.constant 0 : i32
    %c0_i32_2 = arith.constant 0 : i32
    return %c0_i32, %c0_i32_0, %c0_i32_1 : i32, i32, i32
  }
  func.func @transform_3(%arg0: i32) -> (i32, i32) {
    %c0_i32 = arith.constant 0 : i32
    %c0_i32_0 = arith.constant 0 : i32
    %c0_i32_1 = arith.constant 0 : i32
    return %c0_i32, %c0_i32_0 : i32, i32
  }
  func.func @transform_4(%arg0: i32) -> (i32, i32) {
    %c0_i32 = arith.constant 0 : i32
    %c0_i32_0 = arith.constant 0 : i32
    return %arg0, %c0_i32 : i32, i32
  }
}

</mosaic_0001>

<sc_bundles>
// kernel: kernel.6.cloned.1.call-start
scs
__scs_entry_jumppad:
0x0: {  	(pc) =	sbr.rel $0x88, $3  }
0x1: {  	(tag) =	ssettag $0x0;
	lr =	simm.s32 $0x1  }
0x2: {  	[smem:$0x3F9A] =	sst lr;
	_ =	strace $0xD0000000  }
0x3: {  	_ = 	snop  }
0x4: {  	_ = 	snop  }
0x5: {  	_ = 	snop  }
0x6: {  	_ = 	snop  }
0x7: {  	_ = 	snop  }
__scs_overlays_trampoline_lowered:
0x8: {  	[smem:$0x3FA9] =	sst s0  }
0x9: {  	[smem:$0x3FAA] =	sst s1  }
0xa: {  	[smem:$0x3FAB] =	sst s2  }
0xb: {  	[smem:$0x3FAC] =	sst s3  }
0xc: {  	[smem:$0x3FAD] =	sst s4  }
0xd: {  	[smem:$0x3FAE] =	sst s5  }
0xe: {  	[smem:$0x3FAF] =	sst s6  }
0xf: {  	[smem:$0x3FB0] =	sst s7  }
0x10: {  	[smem:$0x3FB1] =	sst s8  }
0x11: {  	[smem:$0x3FB2] =	sst s9;
	s0 =	simm.s32 @!p0 $0x0  }
0x12: {  	s1 =	sld [smem:$0x3F98];
	s0 =	simm.s32 @p0 $0x1  }
0x13: {  	[smem:$0x3FB3] =	sst s0;
	s0 =	simm.s32 @!p1 $0x0  }
0x14: {  	s2 =	sld [smem:$0x3F97];
	s0 =	simm.s32 @p1 $0x1  }
0x15: {  	[smem:$0x3FB4] =	sst s0;
	s0 =	simm.s32 @!p2 $0x0  }
0x16: {  	s3 =	sld [smem:$0x3FDB];
	s0 =	simm.s32 @p2 $0x1  }
0x17: {  	s4 =	simm.s32 $0x1BF5;
	[smem:$0x3FB6] =	sst s0  }
0x18: {  	s0 =	sld [smem:$0x3F99];
	_ =	swait.ge [sflag:s4], $0x0  }
0x19: {  	s7 =	sld [smem:$0x3F9A]  }
0x1a: {  	s8 =	sadd.s32 $0xFFFFE003, lr  }
0x1b: {  	s9 =	sadd.s32 $0xFFFFFEF7, lr;
	s5 =	simm.s32 $0xFFFFFFFF;
	p2 =	slt.u32 s8, $0xFFFFF086  }
0x1c: {  	p1 =	slt.u32 s9, $0xF7A;
	s5 =	simm.s32 @!p2 $0x0  }
0x1d: {  	s5 =	simm.s32 @p1 $0x1;
	p0 =	seq.s32 s7, s2  }
0x1e: {  	s7 =	smul.u32 @!p0 $0xF7A, s2;
	p2 =	seq.s32 @!p0 s5, $0x0  }
0x1f: {  	s9 =	smul.u32 $0xF7A, s1;
	s8 =	simm.s32 @!p0 $0x1BF5;
	p2 =	por !p2, p0  }
0x20: {  	[sflag:s8] =	ssyncset.s32 @!p0 $0xFFFFF086;
	s6 =	sadd.s32 @!p0 s3, s7;
	s7 =	simm.s32 @!p0 $0x108  }
0x21: {  	s3 =	sadd.s32 s3, s9;
	s6 =	sadd.s32 @!p0 $0x88, s6;
	s7 =	simm.s32 @p2 $0x1082  }
0x22: {  	[simem:s7], [sflag:s8] =	dma.local @!p0 [hbm:s6], $0xF7A  }
0x23: {  	s9 =	sor.u32 $0xD0000000, s2;
	s6 =	simm.s32 $0x108;
	_ =	swait.ge @!p0 [sflag:s8], $0x0  }
0x24: {  	s3 =	sadd.s32 $0x88, s3;
	s6 =	simm.s32 @!p1 $0x1082;
	[sflag:s4] =	ssyncset.s32 $0xFFFFF086  }
0x25: {  	[simem:s6], [sflag:s4] =	dma.local [hbm:s3], $0xF7A  }
0x26: {  	[smem:$0x3F9A] =	sst s1;
	(tag) =	ssettag s2;
	_ =	strace s9  }
0x27: {  	s1 =	sld [smem:$0x3FAA]  }
0x28: {  	s2 =	sld [smem:$0x3FAB]  }
0x29: {  	s4 =	sld [smem:$0x3FAD]  }
0x2a: {  	p0 =	seq.s32 s5, $0x0;
	s5 =	sld [smem:$0x3FAE]  }
0x2b: {  	s6 =	sld [smem:$0x3FAF]  }
0x2c: {  	s7 =	sld [smem:$0x3FB0]  }
0x2d: {  	s3 =	simm.s32 $0x108;
	s8 =	sld [smem:$0x3FB1]  }
0x2e: {  	s3 =	simm.s32 @!p0 $0x1082;
	s9 =	sld [smem:$0x3FB2]  }
0x2f: {  	lr =	sadd.s32 s0, s3;
	s0 =	sld [smem:$0x3FA9]  }
0x30: {  	s3 =	sld [smem:$0x3FAC]  }
0x31: {  	[smem:$0x3FB5] =	sst s10  }
0x32: {  	s10 =	sld [smem:$0x3FB3];
	_ =	sdelay $0x3  }
0x33: {  	p0 =	seq.s32 s10, $0x1;
	s10 =	sld [smem:$0x3FB5];
	_ =	sdelay $0x3  }
0x34: {  	[smem:$0x3FB5] =	sst s10  }
0x35: {  	s10 =	sld [smem:$0x3FB4];
	_ =	sdelay $0x3  }
0x36: {  	p1 =	seq.s32 s10, $0x1;
	s10 =	sld [smem:$0x3FB5];
	_ =	sdelay $0x3  }
0x37: {  	[smem:$0x3FB5] =	sst s10  }
0x38: {  	s10 =	sld [smem:$0x3FB6]  }
0x39: {  	_ = 	snop;
	(pc) =	sbr.ind lr, $3  }
0x3a: {  	_ = 	snop  }
0x3b: {  	_ = 	snop  }
0x3c: {  	p2 =	seq.s32 s10, $0x1;
	s10 =	sld [smem:$0x3FB5]  }
0x3d: {  	_ =	shalt  }
0x3e: {  	_ =	shalt  }
0x3f: {  	_ =	shalt  }
0x40: {  	_ =	shalt  }
0x41: {  	_ =	shalt  }
0x42: {  	_ =	shalt  }
0x43: {  	_ =	shalt  }
0x44: {  	_ =	shalt  }
0x45: {  	_ =	shalt  }
0x46: {  	_ =	shalt  }
0x47: {  	_ =	shalt  }
0x48: {  	_ =	shalt  }
0x49: {  	_ =	shalt  }
0x4a: {  	_ =	shalt  }
0x4b: {  	_ =	shalt  }
0x4c: {  	_ =	shalt  }
0x4d: {  	_ =	shalt  }
0x4e: {  	_ =	shalt  }
0x4f: {  	_ =	shalt  }
0x50: {  	_ =	shalt  }
0x51: {  	_ =	shalt  }
0x52: {  	_ =	shalt  }
0x53: {  	_ =	shalt  }
0x54: {  	_ =	shalt  }
0x55: {  	_ =	shalt  }
0x56: {  	_ =	shalt  }
0x57: {  	_ =	shalt  }
0x58: {  	_ =	shalt  }
0x59: {  	_ =	shalt  }
0x5a: {  	_ =	shalt  }
0x5b: {  	_ =	shalt  }
0x5c: {  	_ =	shalt  }
0x5d: {  	_ =	shalt  }
0x5e: {  	_ =	shalt  }
0x5f: {  	_ =	shalt  }
0x60: {  	_ =	shalt  }
0x61: {  	_ =	shalt  }
0x62: {  	_ =	shalt  }
0x63: {  	_ =	shalt  }
0x64: {  	_ =	shalt  }
0x65: {  	_ =	shalt  }
0x66: {  	_ =	shalt  }
0x67: {  	_ =	shalt  }
0x68: {  	_ =	shalt  }
0x69: {  	_ =	shalt  }
0x6a: {  	_ =	shalt  }
0x6b: {  	_ =	shalt  }
0x6c: {  	_ =	shalt  }
0x6d: {  	_ =	shalt  }
0x6e: {  	_ =	shalt  }
0x6f: {  	_ =	shalt  }
0x70: {  	_ =	shalt  }
0x71: {  	_ =	shalt  }
0x72: {  	_ =	shalt  }
0x73: {  	_ =	shalt  }
0x74: {  	_ =	shalt  }
0x75: {  	_ =	shalt  }
0x76: {  	_ =	shalt  }
0x77: {  	_ =	shalt  }
0x78: {  	_ =	shalt  }
0x79: {  	_ =	shalt  }
0x7a: {  	_ =	shalt  }
0x7b: {  	_ =	shalt  }
0x7c: {  	_ =	shalt  }
0x7d: {  	_ =	shalt  }
0x7e: {  	_ =	shalt  }
0x7f: {  	_ =	shalt  }
0x80: {  	_ =	shalt  }
0x81: {  	_ =	shalt  }
0x82: {  	_ =	shalt  }
0x83: {  	_ =	shalt  }
0x84: {  	_ =	shalt  }
0x85: {  	_ =	shalt  }
0x86: {  	_ =	shalt  }
0x87: {  	_ =	shalt  }
.Lfunc_end0:
.L_simem_size_0:
called_computation_lowered:
.L_overlay_start_0:
0x88: {  	s2 =	sld [smem:$0x3FD9]  }
0x89: {  	s3 =	sld [smem:$0x3FFE];
	_ =	sdelay $0x1  }
0x8a: {  	s1 =	srdreg.scid  }
0x8b: {  	s0 =	sand.u32 $0x1, s1  }
0x8c: {  	s14 =	sshll.u32 s0, $0xA;
	s2 =	sadd.s32 s3, s2  }
0x8d: {  	s2 =	sadd.s32 s2, s14  }
0x8e: {  	[smem:$0x3FC1] =	sst s2  }
0x8f: {  	_ = 	snop  }
0x90: {  	s2 =	sld [smem:$0x3FD0];
	_ =	sdelay $0x2  }
0x91: {  	s15 =	simm.s32 $0xA;
	s4 =	simm.s32 $0x10  }
0x92: {  	[smem:s4], [sflag:s15] =	dma.local [hbm:s2], $0x1  }
0x93: {  	_ =	swait.eq [sflag:s15], $0x1  }
0x94: {  	[sflag:s15] =	ssyncset.done $0x0  }
0x95: {  	[sflag:s15] =	ssyncadd.s32 $0xFFFFFFFF  }
0x96: {  	s16 =	sld [smem:$0x10];
	(tm) =	ssettm $0x1  }
0x97: {  	s17 =	sld [smem:$0x3FFB];
	_ =	sdelay $0x3  }
0x98: {  	_ =	strace s17  }
0x99: {  	s3 =	sld [smem:$0x3FFC];
	_ =	sdelay $0x3  }
0x9a: {  	_ =	strace s3  }
0x9b: {  	s3 =	sld [smem:$0x3FFD];
	_ =	sdelay $0x3  }
0x9c: {  	_ =	strace s3  }
0x9d: {  	_ =	strace $0x8FFFFFFF  }
0x9e: {  	s18 =	sld [smem:$0x3FDB];
	_ =	sdelay $0x1  }
0x9f: {  	s19 =	simm.s32 $_scs_section_size  }
0xa0: {  	s5 =	simm.s32 $_size__tile_overlayer_lowered;
	s6 =	simm.s32 $_tile_overlayer_lowered  }
0xa1: {  	s22 =	simm.s32 $0x1BFF;
	s21 =	sshll.u32 s6, $0x1;
	s3 =	sadd.s32 s19, s18  }
0xa2: {  	s7 =	simm.s32 $0x0;
	s20 =	sshll.u32 s5, $0x1;
	s5 =	sadd.s32 s21, s3  }
0xa3: {  	[timem:s7], [sflag:s22] =	dma.local [hbm:s5], s20  }
0xa4: {  	_ =	swait.ge [sflag:s22], s20  }
0xa5: {  	s4 =	ssub.s32 $0x0, s20;
	[sflag:s22] =	ssyncset.done $0x0  }
0xa6: {  	[sflag:s22] =	ssyncadd.s32 s4;
	_ =	sdelay $0x1  }
0xa7: {  	s23 =	simm.s32 $0x1B8B  }
0xa8: {  	_ =	swait.ge [sflag:s23], $0x1  }
0xa9: {  	[sflag:s23] =	ssyncset.done $0x0  }
0xaa: {  	s25 =	simm.s32 $0x1B8E;
	s24 =	sld [smem:$0x3FFE];
	[sflag:s23] =	ssyncadd.s32 $0xFFFFFFFF  }
0xab: {  	s26 =	simm.s32 $execute0_lowered;
	[smem:$0x3FD2] =	sst s25  }
0xac: {  	s5 =	sshll.u32 s26, $0x1;
	_ =	strace $0x80000046;
	[dreg:$0x1] =	wrdreg $0xFFFFFFFF  }
0xad: {  	s28 =	simm.s32 $_size_execute0_lowered;
	s3 =	sadd.s32 s3, s5;
	[dreg:$0x0] =	wrdreg $0x0  }
0xae: {  	s5 =	sshll.u32 s28, $0x1;
	[dreg:$0x2] =	wrdreg s3  }
0xaf: {  	[dreg:$0x3] =	wrdreg s5  }
0xb0: {  	[dreg:$0x4] =	wrdreg $0xC0  }
0xb1: {  	_ =	task [dreg:s7], $0x5FFFF  }
0xb2: {  	[dreg:$0x1] =	wrdreg $0xFFFFFFFF  }
0xb3: {  	[dreg:$0x0] =	wrdreg $0x60  }
0xb4: {  	[dreg:$0x2] =	wrdreg s24  }
0xb5: {  	[dreg:$0x3] =	wrdreg s16  }
0xb6: {  	[dreg:$0x4] =	wrdreg $0x9  }
0xb7: {  	_ =	task.clear_ibuf [dreg:s7], $0x5FFFF;
	_ =	strace $0x90000046  }
0xb8: {  	s29 =	simm.s32 $0x9;
	_ =	strace $0x80000048  }
0xb9: {  	_ =	swait.ge [sflag:s29], $0x1  }
0xba: {  	[sflag:s29] =	ssyncadd.s32 $0xFFFFFFFF  }
0xbb: {  	_ =	strace $0x90000048  }
0xbc: {  	_ =	sfence  }
0xbd: {  	s30 =	sld [smem:$0x0];
	_ =	sdelay $0x2  }
0xbe: {  	s31 =	sshll.u32 s1, $0xD;
	s1 =	sshrl.u32 s1, $0x2  }
0xbf: {  	s3 =	sand.u32 $0x4000, s31;
	s1 =	sadd.s32 s1, s30  }
0xc0: {  	s0 =	sor.u32 s3, s0;
	s1 =	sshll.u32 s1, $0x11  }
0xc1: {  	s0 =	sor.u32 s1, s0  }
0xc2: {  	s0 =	sadd.s32 $0x8F2B, s0  }
0xc3: {  	[sflag:s0] =	ssyncadd.remote.s32 $0x1  }
0xc4: {  	_ =	sfence.sel $0xFFFF  }
0xc5: {  	[dreg:$0x0] =	wrdreg $0xFFFFFFFF;
	(pc) =	sbr.abs _section_cstart, $3  }
0xc6: {  	[dreg:$0x1] =	wrdreg $0xFFFFFFFF  }
0xc7: {  	_ =	task.clear_ibuf [dreg:s7], $0x2FFFF;
	_ =	strace $0x9FFFFFFF  }
0xc8: {  	(tm) =	ssettm $0x7FFFFFFF  }
0xc9: {  	_ =	shalt  }
tec
execute0_lowered:
.L_overlay_start_1:
0x0: {  	(tag) =	ssettag $0x1  }
0x1: {  	s1 =	srdreg.scid;
	s0 =	stileid.u32  }
0x2: {  	s6 =	sand.u32 $0x1, s1;
	s30 =	sshll.u32 s0, $0x1  }
0x3: {  	s5 =	rddreg [dreg:$0x0];
	s9 =	sor.u32 s6, s30  }
0x4: {  	s10 =	rddreg [dreg:$0x1];
	s2 =	simm.s32 $0x0;
	s3 =	smul.u32 $0x18, s9  }
0x5: {  	s7 =	simm.s32 $0x100;
	[smem:$0x7FF] =	sst s2  }
0x6: {  	s1 =	rddreg [dreg:$0x2];
	_ =	strace $0x80000047;
	s3 =	sadd.s32 s3, s5  }
0x7: {  	s11 =	ssub.s32 $0x2, s6;
	s4 =	sadd.s32 $0x1400, s3;
	s3 =	simm.s32 $0x2  }
0x8: {  	[tilespmem:s2], [sflag:$0x2] =	stream.linear.gather [hbm4b:s4+s2], $0xC0, $0x38;
	[tilespmem:$0x6100] =	vst v63  }
0x9: {  	s8 =	simm.s32 $0x1;
	s12 =	sshrl.u32 s11, $0x1;
	_ =	swait.ge [sflag:s3], $0xC0  }
0xa: {  	s6 =	simm.s32 $0xC0;
	s11 =	ssub.s32 s11, s12;
	[sflag:s3] =	ssyncset.done $0x0  }
0xb: {  	s5 =	sadd.s32 $0x1800, s5;
	s31 =	smax.u32 s11, $0x1;
	[sflag:s3] =	ssyncadd.s32 $0xFFFFFF40  }
0xc: {  	[tilespmem:s7], [sflag:$0x1] =	stream.indirect.gather [hbm4b:s5+s6], $0x80, s2, s6, $0xb8;
	[tilespmem:$0x6100] =	vst v63  }
0xd: {  	s9 =	smul.u32 $0xC00, s9;
	p0 =	sne.s32 s31, $0x1;
	_ =	swait.ge [sflag:s8], $0x6000  }
.Ltmp0:
0xe: {  	[sflag:s8] =	ssyncset.done $0x0;
	(pc) =	sbr.rel @!p0 .LBB2_2-.Ltmp0, $4  }
0xf: {  	s9 =	sadd.s32 s10, s9;
	[sflag:s8] =	ssyncadd.s32 $0xFFFFA000  }
0x10: {  	[hbm4b:s9+s2] =	stream.linear.scatter [tilespmem:s7], [sflag:$0x2], $0x6000, $0x38;
	[tilespmem:$0x6100] =	vst v63  }
0x11: {  	_ =	swait.ge [sflag:s3], $0x6000  }
0x12: {  	s10 =	sadd.s32 $0xFFFFFFFF, s31;
	[sflag:s3] =	ssyncset.done $0x0  }
.LBB2_1:
0x13: {  	p0 =	sne.s32 s10, $0x1;
	s10 =	sadd.s32 $0xFFFFFFFF, s10;
	[sflag:s3] =	ssyncadd.s32 $0xFFFFA000  }
0x14: {  	[tilespmem:s2], [sflag:$0x2] =	stream.linear.gather [hbm4b:s4+s2], $0xC0, $0x38;
	[tilespmem:$0x6100] =	vst v63  }
0x15: {  	_ =	swait.ge [sflag:s3], $0xC0  }
0x16: {  	[sflag:s3] =	ssyncset.done $0x0  }
0x17: {  	[sflag:s3] =	ssyncadd.s32 $0xFFFFFF40  }
0x18: {  	[tilespmem:s7], [sflag:$0x1] =	stream.indirect.gather [hbm4b:s5+s6], $0x80, s2, s6, $0xb8;
	[tilespmem:$0x6100] =	vst v63  }
0x19: {  	_ =	swait.ge [sflag:s8], $0x6000  }
.Ltmp1:
0x1a: {  	[sflag:s8] =	ssyncset.done $0x0;
	(pc) =	sbr.rel @p0 .LBB2_1-.Ltmp1, $4  }
0x1b: {  	[sflag:s8] =	ssyncadd.s32 $0xFFFFA000  }
0x1c: {  	[hbm4b:s9+s2] =	stream.linear.scatter [tilespmem:s7], [sflag:$0x2], $0x6000, $0x38;
	[tilespmem:$0x6100] =	vst v63  }
0x1d: {  	_ =	swait.ge [sflag:s3], $0x6000  }
0x1e: {  	[sflag:s3] =	ssyncset.done $0x0  }
.LBB2_2:
0x1f: {  	[sflag:s3] =	ssyncadd.s32 $0xFFFFA000  }
0x20: {  	_ =	sfence.sel $0x180000  }
0x21: {  	[bflag:$0x0] =	sbarrier.arrive $0xFFFF  }
0x22: {  	p0 =	sne.s32 s0, $0x0;
	_ =	strace $0x90000047  }
0x23: {  	s0 =	sadd.s32 @!p0 $0x100000, s1;
	[bflag:$0x2] =	sbarrier.arrive $0xFFFF  }
0x24: {  	[sflag:s0] =	ssyncadd.tile.s32 @!p0 $0x1;
	_ =	shalt  }
.Lfunc_end2:
_tile_overlayer_lowered:
.L_overlay_start_2:
0x25: {  	(tag) =	ssettag $0x2  }
0x26: {  	s0 =	rddreg [dreg:$0x0];
	s2 =	stileid.u32  }
0x27: {  	s1 =	rddreg [dreg:$0x1];
	p0 =	sne.s32 s2, $0x0  }
0x28: {  	s3 =	rddreg [dreg:$0x2];
	[bflag:$0x3] =	sbarrier.arrive $0xFFFF;
	s2 =	simm.s32 @!p0 $0x1C02  }
0x29: {  	[timem:s3], [sflag:s2] =	dma.local @!p0 [hbm:s0], s1  }
0x2a: {  	s0 =	simm.s32 @!p0 $0x2  }
0x2b: {  	_ =	swait.ge @!p0 [sflag:s0], s1  }
0x2c: {  	s1 =	ssub.s32 @!p0 $0x0, s1;
	[sflag:s0] =	ssyncset.done @!p0 $0x0  }
0x2d: {  	[sflag:s0] =	ssyncadd.s32 @!p0 s1  }
0x2e: {  	[bflag:$0x3] =	sbarrier.arrive $0xFFFF  }
0x2f: {  	_ =	shalt  }

</sc_bundles>
